<compile_context>
chip_gen: v7x
topology: tpu7x:2x2x1
jax: 0.10.2.dev20260603
libtpu: 0.0.44.dev20260713+nightly
codegen_flags: <defaults>
</compile_context>

<pallas_src>
import functools

import jax
import jax.numpy as jnp
from jax import lax
from jax.experimental import pallas as pl
from jax.experimental.pallas import tpu as pltpu
from jax.experimental.pallas import tpu_sc as plsc

_NUM_CORES = 2
_NUM_SUBCORES = 16
_NUM_WORKERS = _NUM_CORES * _NUM_SUBCORES


@functools.partial(jax.jit, static_argnums=(1, 2))
def _copy_rows(emb_weight, seq_len, dim):
    rows_per_w = seq_len // _NUM_WORKERS
    mesh = plsc.VectorSubcoreMesh(core_axis_name="c", subcore_axis_name="s")

    n_buf = 3
    chunk = 32
    n_chunks = rows_per_w // chunk
    n_buf_s = 2
    chunk_s = 16
    n_chunks_s = rows_per_w // chunk_s

    @functools.partial(
        pl.kernel,
        mesh=mesh,
        out_type=jax.ShapeDtypeStruct((seq_len, dim), emb_weight.dtype),
        scratch_types=(
            [
                pltpu.VMEM((n_buf, chunk, dim), jnp.float32),
                pltpu.VMEM_SHARED(
                    (_NUM_SUBCORES // 2, n_buf_s, chunk_s, dim), jnp.float32
                ),
            ]
            + [pltpu.SemaphoreType.DMA] * (2 * n_buf)
        ),
    )
    def copy_kernel(emb_hbm, out_hbm, tile_buf, shared_buf, *sems):
        s = lax.axis_index("s")
        wid = s * _NUM_CORES + lax.axis_index("c")
        base = wid * rows_per_w
        rsems = list(sems[:n_buf])
        wsems = list(sems[n_buf:])

        def run_pipeline(buf_at, nb, ck, nc):
            def start_read(j):
                return pltpu.async_copy(
                    emb_hbm.at[pl.ds(base + j * ck, ck)],
                    buf_at(j % nb),
                    rsems[j % nb],
                )

            def start_write(j):
                return pltpu.async_copy(
                    buf_at(j % nb),
                    out_hbm.at[pl.ds(base + j * ck, ck)],
                    wsems[j % nb],
                )

            rh = [start_read(b) for b in range(nb)]
            wh = [None] * nb
            for j in range(nc):
                b = j % nb
                rh[b].wait()
                wh[b] = start_write(j)
                if j + nb < nc:
                    wh[b].wait()
                    rh[b] = start_read(j + nb)
            for b in range(nb):
                wh[b].wait()

        @pl.when(s % 2 == 0)
        def _():
            run_pipeline(lambda b: tile_buf.at[b], n_buf, chunk, n_chunks)

        @pl.when(s % 2 == 1)
        def _():
            run_pipeline(
                lambda b: shared_buf.at[s // 2, b], n_buf_s, chunk_s, n_chunks_s
            )

    return copy_kernel(emb_weight)


def kernel(x, emb_weight):
    seq_len = x.shape[1]
    return _copy_rows(emb_weight, seq_len, emb_weight.shape[1])

# --- scband reference (transcript-rebuilt; emitter-appended) ---
"""Pipeline reference for scband-absolute-positional-embedding-61692910240414 (READ-ONLY COPY).

The authoritative reference and input builder live on the scoring server;
editing this copy changes nothing except your own understanding.
"""

import jax, jax.numpy as jnp
import numpy as np

DIM = 1024
MAX_SEQ_LEN = 8192
BATCH = 4
SEQ_LEN = 8192

def setup_inputs(seed: int = 0) -> dict:
    key = jax.random.key(seed)
    k_x, k_w = jax.random.split(key)
    x = jax.random.normal(k_x, (BATCH, SEQ_LEN, DIM), dtype=jnp.float32)
    emb_weight = jax.random.normal(k_w, (MAX_SEQ_LEN, DIM), dtype=jnp.float32)
    return {"x": x, "emb_weight": emb_weight}

def reference(x, emb_weight):
    # t = torch.arange(x.shape[1]); return self.emb(t)
    t = jnp.arange(x.shape[1])
    return jnp.take(emb_weight, t, axis=0)

if __name__ == "__main__":
    import jax
    _d = setup_inputs()
    print(jax.jit(kernel)(*tuple(_d.values())))

</pallas_src>

<mosaic_0001>
#map = affine_map<(d0, d1) -> (0, 0)>
module attributes {stable_mosaic.version = 14 : i64} {
  func.func @copy_kernel(%arg0: i32, %arg1: i32, %arg2: memref<8192x1024xf32, #tpu.memory_space<hbm>>, %arg3: memref<8192x1024xf32, #tpu.memory_space<hbm>>, %arg4: memref<3x32x1024xf32, #tpu.memory_space<vmem>>, %arg5: memref<8x2x16x1024xf32, #tpu.memory_space<vmem_shared>>, %arg6: memref<!tpu.dma_semaphore, #tpu.memory_space<semaphore_mem>>, %arg7: memref<!tpu.dma_semaphore, #tpu.memory_space<semaphore_mem>>, %arg8: memref<!tpu.dma_semaphore, #tpu.memory_space<semaphore_mem>>, %arg9: memref<!tpu.dma_semaphore, #tpu.memory_space<semaphore_mem>>, %arg10: memref<!tpu.dma_semaphore, #tpu.memory_space<semaphore_mem>>, %arg11: memref<!tpu.dma_semaphore, #tpu.memory_space<semaphore_mem>>) attributes {dimension_semantics = [#tpu.dimension_semantics<core_parallel>, #tpu.dimension_semantics<subcore_parallel>], iteration_bounds = array<i64: 2, 16>, scalar_prefetch = 0 : i64, scratch_operands = 8 : i64, tpu.core_type = #tpu.core_type<sc_vector_subcore>, window_params = [{transform_indices = #map}, {transform_indices = #map}]} {
    %mul3A = arith.constant 2 : i32
    %mul3A_0 = arith.muli %arg1, %mul3A : i32
    %add3A = arith.addi %mul3A_0, %arg0 : i32
    %mul3A_1 = arith.constant 256 : i32
    %mul3A_2 = arith.muli %add3A, %mul3A_1 : i32
    %jit3A = arith.constant 2 : i32
    %eq3A = arith.constant 0 : i32
    %eq3A_3 = arith.cmpi eq, %jit3A, %eq3A : i32
    %jit3A_4 = arith.constant 1 : i32
    %select_n3A = arith.select %eq3A_3, %jit3A_4, %jit3A : i32
    %rem3A = arith.remsi %arg1, %select_n3A : i32
    %ne3A = arith.constant 0 : i32
    %ne3A_5 = arith.cmpi ne, %rem3A, %ne3A : i32
    %lt3A = arith.constant 0 : i32
    %lt3A_6 = arith.cmpi slt, %rem3A, %lt3A : i32
    %lt3A_7 = arith.constant 0 : i32
    %lt3A_8 = arith.cmpi slt, %select_n3A, %lt3A_7 : i32
    %ne3A_9 = arith.xori %lt3A_6, %lt3A_8 : i1
    %and3A = arith.andi %ne3A_9, %ne3A_5 : i1
    %add3A_10 = arith.addi %rem3A, %select_n3A : i32
    %select_n3A_11 = arith.select %and3A, %add3A_10, %rem3A : i32
    %eq3A_12 = arith.constant 0 : i32
    %eq3A_13 = arith.cmpi eq, %select_n3A_11, %eq3A_12 : i32
    %convert_element_type3A = arith.extui %eq3A_13 : i1 to i32
    %cond3A = arith.constant 0 : i32
    %cond3A_14 = arith.cmpi ne, %convert_element_type3A, %cond3A : i32
    scf.if %cond3A_14 {
      %add3A_36 = arith.constant 0 : i32
      %add3A_37 = arith.addi %mul3A_2, %add3A_36 : i32
      %dma_start3A = arith.constant 0 : i32
      %dma_start3A_38 = arith.constant 0 : i32
      %dma_start3A_39 = arith.constant 0 : i32
      %dma_start3A_40 = tpu.memref_slice %arg4[%dma_start3A, %dma_start3A_38, %dma_start3A_39] : memref<3x32x1024xf32, #tpu.memory_space<vmem>> -> memref<1x32x1024xf32, #tpu.memory_space<vmem>>
      %dma_start3A_41 = tpu.memref_squeeze %dma_start3A_40 : memref<1x32x1024xf32, #tpu.memory_space<vmem>> -> memref<32x1024xf32, #tpu.memory_space<vmem>>
      %dma_start3A_42 = arith.constant 0 : i32
      %dma_start3A_43 = tpu.memref_slice %arg2[%add3A_37, %dma_start3A_42] : memref<8192x1024xf32, #tpu.memory_space<hbm>> -> memref<32x1024xf32, #tpu.memory_space<hbm>>
      %dma_start3A_44 = arith.constant 0 : i32
      %dma_start3A_45 = arith.constant 0 : i32
      %dma_start3A_46 = tpu.memref_slice %arg4[%dma_start3A, %dma_start3A_44, %dma_start3A_45] : memref<3x32x1024xf32, #tpu.memory_space<vmem>> -> memref<1x32x1024xf32, #tpu.memory_space<vmem>>
      %dma_start3A_47 = tpu.memref_squeeze %dma_start3A_46 : memref<1x32x1024xf32, #tpu.memory_space<vmem>> -> memref<32x1024xf32, #tpu.memory_space<vmem>>
      %dma_start3A_48 = arith.constant 0 : i32
      %dma_start3A_49 = tpu.memref_slice %arg2[%add3A_37, %dma_start3A_48] : memref<8192x1024xf32, #tpu.memory_space<hbm>> -> memref<32x1024xf32, #tpu.memory_space<hbm>>
      tpu.enqueue_dma source(%dma_start3A_49 : memref<32x1024xf32, #tpu.memory_space<hbm>>) target(%dma_start3A_47 : memref<32x1024xf32, #tpu.memory_space<vmem>>) target_semaphore(%arg6 : memref<!tpu.dma_semaphore, #tpu.memory_space<semaphore_mem>>)
      %add3A_50 = arith.constant 32 : i32
      %add3A_51 = arith.addi %mul3A_2, %add3A_50 : i32
      %dma_start3A_52 = arith.constant 1 : i32
      %dma_start3A_53 = arith.constant 0 : i32
      %dma_start3A_54 = arith.constant 0 : i32
      %dma_start3A_55 = tpu.memref_slice %arg4[%dma_start3A_52, %dma_start3A_53, %dma_start3A_54] : memref<3x32x1024xf32, #tpu.memory_space<vmem>> -> memref<1x32x1024xf32, #tpu.memory_space<vmem>>
      %dma_start3A_56 = tpu.memref_squeeze %dma_start3A_55 : memref<1x32x1024xf32, #tpu.memory_space<vmem>> -> memref<32x1024xf32, #tpu.memory_space<vmem>>
      %dma_start3A_57 = arith.constant 0 : i32
      %dma_start3A_58 = tpu.memref_slice %arg2[%add3A_51, %dma_start3A_57] : memref<8192x1024xf32, #tpu.memory_space<hbm>> -> memref<32x1024xf32, #tpu.memory_space<hbm>>
      %dma_start3A_59 = arith.constant 0 : i32
      %dma_start3A_60 = arith.constant 0 : i32
      %dma_start3A_61 = tpu.memref_slice %arg4[%dma_start3A_52, %dma_start3A_59, %dma_start3A_60] : memref<3x32x1024xf32, #tpu.memory_space<vmem>> -> memref<1x32x1024xf32, #tpu.memory_space<vmem>>
      %dma_start3A_62 = tpu.memref_squeeze %dma_start3A_61 : memref<1x32x1024xf32, #tpu.memory_space<vmem>> -> memref<32x1024xf32, #tpu.memory_space<vmem>>
      %dma_start3A_63 = arith.constant 0 : i32
      %dma_start3A_64 = tpu.memref_slice %arg2[%add3A_51, %dma_start3A_63] : memref<8192x1024xf32, #tpu.memory_space<hbm>> -> memref<32x1024xf32, #tpu.memory_space<hbm>>
      tpu.enqueue_dma source(%dma_start3A_64 : memref<32x1024xf32, #tpu.memory_space<hbm>>) target(%dma_start3A_62 : memref<32x1024xf32, #tpu.memory_space<vmem>>) target_semaphore(%arg7 : memref<!tpu.dma_semaphore, #tpu.memory_space<semaphore_mem>>)
      %add3A_65 = arith.constant 64 : i32
      %add3A_66 = arith.addi %mul3A_2, %add3A_65 : i32
      %dma_start3A_67 = arith.constant 2 : i32
      %dma_start3A_68 = arith.constant 0 : i32
      %dma_start3A_69 = arith.constant 0 : i32
      %dma_start3A_70 = tpu.memref_slice %arg4[%dma_start3A_67, %dma_start3A_68, %dma_start3A_69] : memref<3x32x1024xf32, #tpu.memory_space<vmem>> -> memref<1x32x1024xf32, #tpu.memory_space<vmem>>
      %dma_start3A_71 = tpu.memref_squeeze %dma_start3A_70 : memref<1x32x1024xf32, #tpu.memory_space<vmem>> -> memref<32x1024xf32, #tpu.memory_space<vmem>>
      %dma_start3A_72 = arith.constant 0 : i32
      %dma_start3A_73 = tpu.memref_slice %arg2[%add3A_66, %dma_start3A_72] : memref<8192x1024xf32, #tpu.memory_space<hbm>> -> memref<32x1024xf32, #tpu.memory_space<hbm>>
      %dma_start3A_74 = arith.constant 0 : i32
      %dma_start3A_75 = arith.constant 0 : i32
      %dma_start3A_76 = tpu.memref_slice %arg4[%dma_start3A_67, %dma_start3A_74, %dma_start3A_75] : memref<3x32x1024xf32, #tpu.memory_space<vmem>> -> memref<1x32x1024xf32, #tpu.memory_space<vmem>>
      %dma_start3A_77 = tpu.memref_squeeze %dma_start3A_76 : memref<1x32x1024xf32, #tpu.memory_space<vmem>> -> memref<32x1024xf32, #tpu.memory_space<vmem>>
      %dma_start3A_78 = arith.constant 0 : i32
      %dma_start3A_79 = tpu.memref_slice %arg2[%add3A_66, %dma_start3A_78] : memref<8192x1024xf32, #tpu.memory_space<hbm>> -> memref<32x1024xf32, #tpu.memory_space<hbm>>
      tpu.enqueue_dma source(%dma_start3A_79 : memref<32x1024xf32, #tpu.memory_space<hbm>>) target(%dma_start3A_77 : memref<32x1024xf32, #tpu.memory_space<vmem>>) target_semaphore(%arg8 : memref<!tpu.dma_semaphore, #tpu.memory_space<semaphore_mem>>)
      %dma_wait3A = arith.constant 0 : i32
      %dma_wait3A_80 = arith.constant 0 : i32
      %dma_wait3A_81 = arith.constant 0 : i32
      %dma_wait3A_82 = tpu.memref_slice %arg4[%dma_wait3A, %dma_wait3A_80, %dma_wait3A_81] : memref<3x32x1024xf32, #tpu.memory_space<vmem>> -> memref<1x32x1024xf32, #tpu.memory_space<vmem>>
      %dma_wait3A_83 = tpu.memref_squeeze %dma_wait3A_82 : memref<1x32x1024xf32, #tpu.memory_space<vmem>> -> memref<32x1024xf32, #tpu.memory_space<vmem>>
      %dma_wait3A_84 = arith.constant 0 : i32
      %dma_wait3A_85 = tpu.memref_slice %arg2[%add3A_37, %dma_wait3A_84] : memref<8192x1024xf32, #tpu.memory_space<hbm>> -> memref<32x1024xf32, #tpu.memory_space<hbm>>
      %dma_wait3A_86 = arith.constant 0 : i32
      %dma_wait3A_87 = arith.constant 0 : i32
      %dma_wait3A_88 = tpu.memref_slice %arg4[%dma_wait3A, %dma_wait3A_86, %dma_wait3A_87] : memref<3x32x1024xf32, #tpu.memory_space<vmem>> -> memref<1x32x1024xf32, #tpu.memory_space<vmem>>
      %dma_wait3A_89 = tpu.memref_squeeze %dma_wait3A_88 : memref<1x32x1024xf32, #tpu.memory_space<vmem>> -> memref<32x1024xf32, #tpu.memory_space<vmem>>
      %dma_wait3A_90 = arith.constant 0 : i32
      %dma_wait3A_91 = tpu.memref_slice %arg2[%add3A_37, %dma_wait3A_90] : memref<8192x1024xf32, #tpu.memory_space<hbm>> -> memref<32x1024xf32, #tpu.memory_space<hbm>>
      tpu.wait_dma2 semaphore(%arg6 : memref<!tpu.dma_semaphore, #tpu.memory_space<semaphore_mem>>) src(%dma_wait3A_91 : memref<32x1024xf32, #tpu.memory_space<hbm>>) dst(%dma_wait3A_89 : memref<32x1024xf32, #tpu.memory_space<vmem>>)
      %add3A_92 = arith.constant 0 : i32
      %add3A_93 = arith.addi %mul3A_2, %add3A_92 : i32
      %dma_start3A_94 = arith.constant 0 : i32
      %dma_start3A_95 = arith.constant 0 : i32
      %dma_start3A_96 = arith.constant 0 : i32
      %dma_start3A_97 = tpu.memref_slice %arg4[%dma_start3A_94, %dma_start3A_95, %dma_start3A_96] : memref<3x32x1024xf32, #tpu.memory_space<vmem>> -> memref<1x32x1024xf32, #tpu.memory_space<vmem>>
      %dma_start3A_98 = tpu.memref_squeeze %dma_start3A_97 : memref<1x32x1024xf32, #tpu.memory_space<vmem>> -> memref<32x1024xf32, #tpu.memory_space<vmem>>
      %dma_start3A_99 = arith.constant 0 : i32
      %dma_start3A_100 = tpu.memref_slice %arg3[%add3A_93, %dma_start3A_99] : memref<8192x1024xf32, #tpu.memory_space<hbm>> -> memref<32x1024xf32, #tpu.memory_space<hbm>>
      %dma_start3A_101 = arith.constant 0 : i32
      %dma_start3A_102 = tpu.memref_slice %arg3[%add3A_93, %dma_start3A_101] : memref<8192x1024xf32, #tpu.memory_space<hbm>> -> memref<32x1024xf32, #tpu.memory_space<hbm>>
      %dma_start3A_103 = arith.constant 0 : i32
      %dma_start3A_104 = arith.constant 0 : i32
      %dma_start3A_105 = tpu.memref_slice %arg4[%dma_start3A_94, %dma_start3A_103, %dma_start3A_104] : memref<3x32x1024xf32, #tpu.memory_space<vmem>> -> memref<1x32x1024xf32, #tpu.memory_space<vmem>>
      %dma_start3A_106 = tpu.memref_squeeze %dma_start3A_105 : memref<1x32x1024xf32, #tpu.memory_space<vmem>> -> memref<32x1024xf32, #tpu.memory_space<vmem>>
      tpu.enqueue_dma source(%dma_start3A_106 : memref<32x1024xf32, #tpu.memory_space<vmem>>) target(%dma_start3A_102 : memref<32x1024xf32, #tpu.memory_space<hbm>>) target_semaphore(%arg9 : memref<!tpu.dma_semaphore, #tpu.memory_space<semaphore_mem>>)
      %dma_wait3A_107 = arith.constant 0 : i32
      %dma_wait3A_108 = arith.constant 0 : i32
      %dma_wait3A_109 = arith.constant 0 : i32
      %dma_wait3A_110 = tpu.memref_slice %arg4[%dma_wait3A_107, %dma_wait3A_108, %dma_wait3A_109] : memref<3x32x1024xf32, #tpu.memory_space<vmem>> -> memref<1x32x1024xf32, #tpu.memory_space<vmem>>
      %dma_wait3A_111 = tpu.memref_squeeze %dma_wait3A_110 : memref<1x32x1024xf32, #tpu.memory_space<vmem>> -> memref<32x1024xf32, #tpu.memory_space<vmem>>
      %dma_wait3A_112 = arith.constant 0 : i32
      %dma_wait3A_113 = tpu.memref_slice %arg3[%add3A_93, %dma_wait3A_112] : memref<8192x1024xf32, #tpu.memory_space<hbm>> -> memref<32x1024xf32, #tpu.memory_space<hbm>>
      %dma_wait3A_114 = arith.constant 0 : i32
      %dma_wait3A_115 = tpu.memref_slice %arg3[%add3A_93, %dma_wait3A_114] : memref<8192x1024xf32, #tpu.memory_space<hbm>> -> memref<32x1024xf32, #tpu.memory_space<hbm>>
      %dma_wait3A_116 = arith.constant 0 : i32
      %dma_wait3A_117 = arith.constant 0 : i32
      %dma_wait3A_118 = tpu.memref_slice %arg4[%dma_wait3A_107, %dma_wait3A_116, %dma_wait3A_117] : memref<3x32x1024xf32, #tpu.memory_space<vmem>> -> memref<1x32x1024xf32, #tpu.memory_space<vmem>>
      %dma_wait3A_119 = tpu.memref_squeeze %dma_wait3A_118 : memref<1x32x1024xf32, #tpu.memory_space<vmem>> -> memref<32x1024xf32, #tpu.memory_space<vmem>>
      tpu.wait_dma2 semaphore(%arg9 : memref<!tpu.dma_semaphore, #tpu.memory_space<semaphore_mem>>) src(%dma_wait3A_119 : memref<32x1024xf32, #tpu.memory_space<vmem>>) dst(%dma_wait3A_115 : memref<32x1024xf32, #tpu.memory_space<hbm>>)
      %add3A_120 = arith.constant 96 : i32
      %add3A_121 = arith.addi %mul3A_2, %add3A_120 : i32
      %dma_start3A_122 = arith.constant 0 : i32
      %dma_start3A_123 = arith.constant 0 : i32
      %dma_start3A_124 = arith.constant 0 : i32
      %dma_start3A_125 = tpu.memref_slice %arg4[%dma_start3A_122, %dma_start3A_123, %dma_start3A_124] : memref<3x32x1024xf32, #tpu.memory_space<vmem>> -> memref<1x32x1024xf32, #tpu.memory_space<vmem>>
      %dma_start3A_126 = tpu.memref_squeeze %dma_start3A_125 : memref<1x32x1024xf32, #tpu.memory_space<vmem>> -> memref<32x1024xf32, #tpu.memory_space<vmem>>
      %dma_start3A_127 = arith.constant 0 : i32
      %dma_start3A_128 = tpu.memref_slice %arg2[%add3A_121, %dma_start3A_127] : memref<8192x1024xf32, #tpu.memory_space<hbm>> -> memref<32x1024xf32, #tpu.memory_space<hbm>>
      %dma_start3A_129 = arith.constant 0 : i32
      %dma_start3A_130 = arith.constant 0 : i32
      %dma_start3A_131 = tpu.memref_slice %arg4[%dma_start3A_122, %dma_start3A_129, %dma_start3A_130] : memref<3x32x1024xf32, #tpu.memory_space<vmem>> -> memref<1x32x1024xf32, #tpu.memory_space<vmem>>
      %dma_start3A_132 = tpu.memref_squeeze %dma_start3A_131 : memref<1x32x1024xf32, #tpu.memory_space<vmem>> -> memref<32x1024xf32, #tpu.memory_space<vmem>>
      %dma_start3A_133 = arith.constant 0 : i32
      %dma_start3A_134 = tpu.memref_slice %arg2[%add3A_121, %dma_start3A_133] : memref<8192x1024xf32, #tpu.memory_space<hbm>> -> memref<32x1024xf32, #tpu.memory_space<hbm>>
      tpu.enqueue_dma source(%dma_start3A_134 : memref<32x1024xf32, #tpu.memory_space<hbm>>) target(%dma_start3A_132 : memref<32x1024xf32, #tpu.memory_space<vmem>>) target_semaphore(%arg6 : memref<!tpu.dma_semaphore, #tpu.memory_space<semaphore_mem>>)
      %dma_wait3A_135 = arith.constant 1 : i32
      %dma_wait3A_136 = arith.constant 0 : i32
      %dma_wait3A_137 = arith.constant 0 : i32
      %dma_wait3A_138 = tpu.memref_slice %arg4[%dma_wait3A_135, %dma_wait3A_136, %dma_wait3A_137] : memref<3x32x1024xf32, #tpu.memory_space<vmem>> -> memref<1x32x1024xf32, #tpu.memory_space<vmem>>
      %dma_wait3A_139 = tpu.memref_squeeze %dma_wait3A_138 : memref<1x32x1024xf32, #tpu.memory_space<vmem>> -> memref<32x1024xf32, #tpu.memory_space<vmem>>
      %dma_wait3A_140 = arith.constant 0 : i32
      %dma_wait3A_141 = tpu.memref_slice %arg2[%add3A_51, %dma_wait3A_140] : memref<8192x1024xf32, #tpu.memory_space<hbm>> -> memref<32x1024xf32, #tpu.memory_space<hbm>>
      %dma_wait3A_142 = arith.constant 0 : i32
      %dma_wait3A_143 = arith.constant 0 : i32
      %dma_wait3A_144 = tpu.memref_slice %arg4[%dma_wait3A_135, %dma_wait3A_142, %dma_wait3A_143] : memref<3x32x1024xf32, #tpu.memory_space<vmem>> -> memref<1x32x1024xf32, #tpu.memory_space<vmem>>
      %dma_wait3A_145 = tpu.memref_squeeze %dma_wait3A_144 : memref<1x32x1024xf32, #tpu.memory_space<vmem>> -> memref<32x1024xf32, #tpu.memory_space<vmem>>
      %dma_wait3A_146 = arith.constant 0 : i32
      %dma_wait3A_147 = tpu.memref_slice %arg2[%add3A_51, %dma_wait3A_146] : memref<8192x1024xf32, #tpu.memory_space<hbm>> -> memref<32x1024xf32, #tpu.memory_space<hbm>>
      tpu.wait_dma2 semaphore(%arg7 : memref<!tpu.dma_semaphore, #tpu.memory_space<semaphore_mem>>) src(%dma_wait3A_147 : memref<32x1024xf32, #tpu.memory_space<hbm>>) dst(%dma_wait3A_145 : memref<32x1024xf32, #tpu.memory_space<vmem>>)
      %add3A_148 = arith.constant 32 : i32
      %add3A_149 = arith.addi %mul3A_2, %add3A_148 : i32
      %dma_start3A_150 = arith.constant 1 : i32
      %dma_start3A_151 = arith.constant 0 : i32
      %dma_start3A_152 = arith.constant 0 : i32
      %dma_start3A_153 = tpu.memref_slice %arg4[%dma_start3A_150, %dma_start3A_151, %dma_start3A_152] : memref<3x32x1024xf32, #tpu.memory_space<vmem>> -> memref<1x32x1024xf32, #tpu.memory_space<vmem>>
      %dma_start3A_154 = tpu.memref_squeeze %dma_start3A_153 : memref<1x32x1024xf32, #tpu.memory_space<vmem>> -> memref<32x1024xf32, #tpu.memory_space<vmem>>
      %dma_start3A_155 = arith.constant 0 : i32
      %dma_start3A_156 = tpu.memref_slice %arg3[%add3A_149, %dma_start3A_155] : memref<8192x1024xf32, #tpu.memory_space<hbm>> -> memref<32x1024xf32, #tpu.memory_space<hbm>>
      %dma_start3A_157 = arith.constant 0 : i32
      %dma_start3A_158 = tpu.memref_slice %arg3[%add3A_149, %dma_start3A_157] : memref<8192x1024xf32, #tpu.memory_space<hbm>> -> memref<32x1024xf32, #tpu.memory_space<hbm>>
      %dma_start3A_159 = arith.constant 0 : i32
      %dma_start3A_160 = arith.constant 0 : i32
      %dma_start3A_161 = tpu.memref_slice %arg4[%dma_start3A_150, %dma_start3A_159, %dma_start3A_160] : memref<3x32x1024xf32, #tpu.memory_space<vmem>> -> memref<1x32x1024xf32, #tpu.memory_space<vmem>>
      %dma_start3A_162 = tpu.memref_squeeze %dma_start3A_161 : memref<1x32x1024xf32, #tpu.memory_space<vmem>> -> memref<32x1024xf32, #tpu.memory_space<vmem>>
      tpu.enqueue_dma source(%dma_start3A_162 : memref<32x1024xf32, #tpu.memory_space<vmem>>) target(%dma_start3A_158 : memref<32x1024xf32, #tpu.memory_space<hbm>>) target_semaphore(%arg10 : memref<!tpu.dma_semaphore, #tpu.memory_space<semaphore_mem>>)
      %dma_wait3A_163 = arith.constant 1 : i32
      %dma_wait3A_164 = arith.constant 0 : i32
      %dma_wait3A_165 = arith.constant 0 : i32
      %dma_wait3A_166 = tpu.memref_slice %arg4[%dma_wait3A_163, %dma_wait3A_164, %dma_wait3A_165] : memref<3x32x1024xf32, #tpu.memory_space<vmem>> -> memref<1x32x1024xf32, #tpu.memory_space<vmem>>
      %dma_wait3A_167 = tpu.memref_squeeze %dma_wait3A_166 : memref<1x32x1024xf32, #tpu.memory_space<vmem>> -> memref<32x1024xf32, #tpu.memory_space<vmem>>
      %dma_wait3A_168 = arith.constant 0 : i32
      %dma_wait3A_169 = tpu.memref_slice %arg3[%add3A_149, %dma_wait3A_168] : memref<8192x1024xf32, #tpu.memory_space<hbm>> -> memref<32x1024xf32, #tpu.memory_space<hbm>>
      %dma_wait3A_170 = arith.constant 0 : i32
      %dma_wait3A_171 = tpu.memref_slice %arg3[%add3A_149, %dma_wait3A_170] : memref<8192x1024xf32, #tpu.memory_space<hbm>> -> memref<32x1024xf32, #tpu.memory_space<hbm>>
      %dma_wait3A_172 = arith.constant 0 : i32
      %dma_wait3A_173 = arith.constant 0 : i32
      %dma_wait3A_174 = tpu.memref_slice %arg4[%dma_wait3A_163, %dma_wait3A_172, %dma_wait3A_173] : memref<3x32x1024xf32, #tpu.memory_space<vmem>> -> memref<1x32x1024xf32, #tpu.memory_space<vmem>>
      %dma_wait3A_175 = tpu.memref_squeeze %dma_wait3A_174 : memref<1x32x1024xf32, #tpu.memory_space<vmem>> -> memref<32x1024xf32, #tpu.memory_space<vmem>>
      tpu.wait_dma2 semaphore(%arg10 : memref<!tpu.dma_semaphore, #tpu.memory_space<semaphore_mem>>) src(%dma_wait3A_175 : memref<32x1024xf32, #tpu.memory_space<vmem>>) dst(%dma_wait3A_171 : memref<32x1024xf32, #tpu.memory_space<hbm>>)
      %add3A_176 = arith.constant 128 : i32
      %add3A_177 = arith.addi %mul3A_2, %add3A_176 : i32
      %dma_start3A_178 = arith.constant 1 : i32
      %dma_start3A_179 = arith.constant 0 : i32
      %dma_start3A_180 = arith.constant 0 : i32
      %dma_start3A_181 = tpu.memref_slice %arg4[%dma_start3A_178, %dma_start3A_179, %dma_start3A_180] : memref<3x32x1024xf32, #tpu.memory_space<vmem>> -> memref<1x32x1024xf32, #tpu.memory_space<vmem>>
      %dma_start3A_182 = tpu.memref_squeeze %dma_start3A_181 : memref<1x32x1024xf32, #tpu.memory_space<vmem>> -> memref<32x1024xf32, #tpu.memory_space<vmem>>
      %dma_start3A_183 = arith.constant 0 : i32
      %dma_start3A_184 = tpu.memref_slice %arg2[%add3A_177, %dma_start3A_183] : memref<8192x1024xf32, #tpu.memory_space<hbm>> -> memref<32x1024xf32, #tpu.memory_space<hbm>>
      %dma_start3A_185 = arith.constant 0 : i32
      %dma_start3A_186 = arith.constant 0 : i32
      %dma_start3A_187 = tpu.memref_slice %arg4[%dma_start3A_178, %dma_start3A_185, %dma_start3A_186] : memref<3x32x1024xf32, #tpu.memory_space<vmem>> -> memref<1x32x1024xf32, #tpu.memory_space<vmem>>
      %dma_start3A_188 = tpu.memref_squeeze %dma_start3A_187 : memref<1x32x1024xf32, #tpu.memory_space<vmem>> -> memref<32x1024xf32, #tpu.memory_space<vmem>>
      %dma_start3A_189 = arith.constant 0 : i32
      %dma_start3A_190 = tpu.memref_slice %arg2[%add3A_177, %dma_start3A_189] : memref<8192x1024xf32, #tpu.memory_space<hbm>> -> memref<32x1024xf32, #tpu.memory_space<hbm>>
      tpu.enqueue_dma source(%dma_start3A_190 : memref<32x1024xf32, #tpu.memory_space<hbm>>) target(%dma_start3A_188 : memref<32x1024xf32, #tpu.memory_space<vmem>>) target_semaphore(%arg7 : memref<!tpu.dma_semaphore, #tpu.memory_space<semaphore_mem>>)
      %dma_wait3A_191 = arith.constant 2 : i32
      %dma_wait3A_192 = arith.constant 0 : i32
      %dma_wait3A_193 = arith.constant 0 : i32
      %dma_wait3A_194 = tpu.memref_slice %arg4[%dma_wait3A_191, %dma_wait3A_192, %dma_wait3A_193] : memref<3x32x1024xf32, #tpu.memory_space<vmem>> -> memref<1x32x1024xf32, #tpu.memory_space<vmem>>
      %dma_wait3A_195 = tpu.memref_squeeze %dma_wait3A_194 : memref<1x32x1024xf32, #tpu.memory_space<vmem>> -> memref<32x1024xf32, #tpu.memory_space<vmem>>
      %dma_wait3A_196 = arith.constant 0 : i32
      %dma_wait3A_197 = tpu.memref_slice %arg2[%add3A_66, %dma_wait3A_196] : memref<8192x1024xf32, #tpu.memory_space<hbm>> -> memref<32x1024xf32, #tpu.memory_space<hbm>>
      %dma_wait3A_198 = arith.constant 0 : i32
      %dma_wait3A_199 = arith.constant 0 : i32
      %dma_wait3A_200 = tpu.memref_slice %arg4[%dma_wait3A_191, %dma_wait3A_198, %dma_wait3A_199] : memref<3x32x1024xf32, #tpu.memory_space<vmem>> -> memref<1x32x1024xf32, #tpu.memory_space<vmem>>
      %dma_wait3A_201 = tpu.memref_squeeze %dma_wait3A_200 : memref<1x32x1024xf32, #tpu.memory_space<vmem>> -> memref<32x1024xf32, #tpu.memory_space<vmem>>
      %dma_wait3A_202 = arith.constant 0 : i32
      %dma_wait3A_203 = tpu.memref_slice %arg2[%add3A_66, %dma_wait3A_202] : memref<8192x1024xf32, #tpu.memory_space<hbm>> -> memref<32x1024xf32, #tpu.memory_space<hbm>>
      tpu.wait_dma2 semaphore(%arg8 : memref<!tpu.dma_semaphore, #tpu.memory_space<semaphore_mem>>) src(%dma_wait3A_203 : memref<32x1024xf32, #tpu.memory_space<hbm>>) dst(%dma_wait3A_201 : memref<32x1024xf32, #tpu.memory_space<vmem>>)
      %add3A_204 = arith.constant 64 : i32
      %add3A_205 = arith.addi %mul3A_2, %add3A_204 : i32
      %dma_start3A_206 = arith.constant 2 : i32
      %dma_start3A_207 = arith.constant 0 : i32
      %dma_start3A_208 = arith.constant 0 : i32
      %dma_start3A_209 = tpu.memref_slice %arg4[%dma_start3A_206, %dma_start3A_207, %dma_start3A_208] : memref<3x32x1024xf32, #tpu.memory_space<vmem>> -> memref<1x32x1024xf32, #tpu.memory_space<vmem>>
      %dma_start3A_210 = tpu.memref_squeeze %dma_start3A_209 : memref<1x32x1024xf32, #tpu.memory_space<vmem>> -> memref<32x1024xf32, #tpu.memory_space<vmem>>
      %dma_start3A_211 = arith.constant 0 : i32
      %dma_start3A_212 = tpu.memref_slice %arg3[%add3A_205, %dma_start3A_211] : memref<8192x1024xf32, #tpu.memory_space<hbm>> -> memref<32x1024xf32, #tpu.memory_space<hbm>>
      %dma_start3A_213 = arith.constant 0 : i32
      %dma_start3A_214 = tpu.memref_slice %arg3[%add3A_205, %dma_start3A_213] : memref<8192x1024xf32, #tpu.memory_space<hbm>> -> memref<32x1024xf32, #tpu.memory_space<hbm>>
      %dma_start3A_215 = arith.constant 0 : i32
      %dma_start3A_216 = arith.constant 0 : i32
      %dma_start3A_217 = tpu.memref_slice %arg4[%dma_start3A_206, %dma_start3A_215, %dma_start3A_216] : memref<3x32x1024xf32, #tpu.memory_space<vmem>> -> memref<1x32x1024xf32, #tpu.memory_space<vmem>>
      %dma_start3A_218 = tpu.memref_squeeze %dma_start3A_217 : memref<1x32x1024xf32, #tpu.memory_space<vmem>> -> memref<32x1024xf32, #tpu.memory_space<vmem>>
      tpu.enqueue_dma source(%dma_start3A_218 : memref<32x1024xf32, #tpu.memory_space<vmem>>) target(%dma_start3A_214 : memref<32x1024xf32, #tpu.memory_space<hbm>>) target_semaphore(%arg11 : memref<!tpu.dma_semaphore, #tpu.memory_space<semaphore_mem>>)
      %dma_wait3A_219 = arith.constant 2 : i32
      %dma_wait3A_220 = arith.constant 0 : i32
      %dma_wait3A_221 = arith.constant 0 : i32
      %dma_wait3A_222 = tpu.memref_slice %arg4[%dma_wait3A_219, %dma_wait3A_220, %dma_wait3A_221] : memref<3x32x1024xf32, #tpu.memory_space<vmem>> -> memref<1x32x1024xf32, #tpu.memory_space<vmem>>
      %dma_wait3A_223 = tpu.memref_squeeze %dma_wait3A_222 : memref<1x32x1024xf32, #tpu.memory_space<vmem>> -> memref<32x1024xf32, #tpu.memory_space<vmem>>
      %dma_wait3A_224 = arith.constant 0 : i32
      %dma_wait3A_225 = tpu.memref_slice %arg3[%add3A_205, %dma_wait3A_224] : memref<8192x1024xf32, #tpu.memory_space<hbm>> -> memref<32x1024xf32, #tpu.memory_space<hbm>>
      %dma_wait3A_226 = arith.constant 0 : i32
      %dma_wait3A_227 = tpu.memref_slice %arg3[%add3A_205, %dma_wait3A_226] : memref<8192x1024xf32, #tpu.memory_space<hbm>> -> memref<32x1024xf32, #tpu.memory_space<hbm>>
      %dma_wait3A_228 = arith.constant 0 : i32
      %dma_wait3A_229 = arith.constant 0 : i32
      %dma_wait3A_230 = tpu.memref_slice %arg4[%dma_wait3A_219, %dma_wait3A_228, %dma_wait3A_229] : memref<3x32x1024xf32, #tpu.memory_space<vmem>> -> memref<1x32x1024xf32, #tpu.memory_space<vmem>>
      %dma_wait3A_231 = tpu.memref_squeeze %dma_wait3A_230 : memref<1x32x1024xf32, #tpu.memory_space<vmem>> -> memref<32x1024xf32, #tpu.memory_space<vmem>>
      tpu.wait_dma2 semaphore(%arg11 : memref<!tpu.dma_semaphore, #tpu.memory_space<semaphore_mem>>) src(%dma_wait3A_231 : memref<32x1024xf32, #tpu.memory_space<vmem>>) dst(%dma_wait3A_227 : memref<32x1024xf32, #tpu.memory_space<hbm>>)
      %add3A_232 = arith.constant 160 : i32
      %add3A_233 = arith.addi %mul3A_2, %add3A_232 : i32
      %dma_start3A_234 = arith.constant 2 : i32
      %dma_start3A_235 = arith.constant 0 : i32
      %dma_start3A_236 = arith.constant 0 : i32
      %dma_start3A_237 = tpu.memref_slice %arg4[%dma_start3A_234, %dma_start3A_235, %dma_start3A_236] : memref<3x32x1024xf32, #tpu.memory_space<vmem>> -> memref<1x32x1024xf32, #tpu.memory_space<vmem>>
      %dma_start3A_238 = tpu.memref_squeeze %dma_start3A_237 : memref<1x32x1024xf32, #tpu.memory_space<vmem>> -> memref<32x1024xf32, #tpu.memory_space<vmem>>
      %dma_start3A_239 = arith.constant 0 : i32
      %dma_start3A_240 = tpu.memref_slice %arg2[%add3A_233, %dma_start3A_239] : memref<8192x1024xf32, #tpu.memory_space<hbm>> -> memref<32x1024xf32, #tpu.memory_space<hbm>>
      %dma_start3A_241 = arith.constant 0 : i32
      %dma_start3A_242 = arith.constant 0 : i32
      %dma_start3A_243 = tpu.memref_slice %arg4[%dma_start3A_234, %dma_start3A_241, %dma_start3A_242] : memref<3x32x1024xf32, #tpu.memory_space<vmem>> -> memref<1x32x1024xf32, #tpu.memory_space<vmem>>
      %dma_start3A_244 = tpu.memref_squeeze %dma_start3A_243 : memref<1x32x1024xf32, #tpu.memory_space<vmem>> -> memref<32x1024xf32, #tpu.memory_space<vmem>>
      %dma_start3A_245 = arith.constant 0 : i32
      %dma_start3A_246 = tpu.memref_slice %arg2[%add3A_233, %dma_start3A_245] : memref<8192x1024xf32, #tpu.memory_space<hbm>> -> memref<32x1024xf32, #tpu.memory_space<hbm>>
      tpu.enqueue_dma source(%dma_start3A_246 : memref<32x1024xf32, #tpu.memory_space<hbm>>) target(%dma_start3A_244 : memref<32x1024xf32, #tpu.memory_space<vmem>>) target_semaphore(%arg8 : memref<!tpu.dma_semaphore, #tpu.memory_space<semaphore_mem>>)
      %dma_wait3A_247 = arith.constant 0 : i32
      %dma_wait3A_248 = arith.constant 0 : i32
      %dma_wait3A_249 = arith.constant 0 : i32
      %dma_wait3A_250 = tpu.memref_slice %arg4[%dma_wait3A_247, %dma_wait3A_248, %dma_wait3A_249] : memref<3x32x1024xf32, #tpu.memory_space<vmem>> -> memref<1x32x1024xf32, #tpu.memory_space<vmem>>
      %dma_wait3A_251 = tpu.memref_squeeze %dma_wait3A_250 : memref<1x32x1024xf32, #tpu.memory_space<vmem>> -> memref<32x1024xf32, #tpu.memory_space<vmem>>
      %dma_wait3A_252 = arith.constant 0 : i32
      %dma_wait3A_253 = tpu.memref_slice %arg2[%add3A_121, %dma_wait3A_252] : memref<8192x1024xf32, #tpu.memory_space<hbm>> -> memref<32x1024xf32, #tpu.memory_space<hbm>>
      %dma_wait3A_254 = arith.constant 0 : i32
      %dma_wait3A_255 = arith.constant 0 : i32
      %dma_wait3A_256 = tpu.memref_slice %arg4[%dma_wait3A_247, %dma_wait3A_254, %dma_wait3A_255] : memref<3x32x1024xf32, #tpu.memory_space<vmem>> -> memref<1x32x1024xf32, #tpu.memory_space<vmem>>
      %dma_wait3A_257 = tpu.memref_squeeze %dma_wait3A_256 : memref<1x32x1024xf32, #tpu.memory_space<vmem>> -> memref<32x1024xf32, #tpu.memory_space<vmem>>
      %dma_wait3A_258 = arith.constant 0 : i32
      %dma_wait3A_259 = tpu.memref_slice %arg2[%add3A_121, %dma_wait3A_258] : memref<8192x1024xf32, #tpu.memory_space<hbm>> -> memref<32x1024xf32, #tpu.memory_space<hbm>>
      tpu.wait_dma2 semaphore(%arg6 : memref<!tpu.dma_semaphore, #tpu.memory_space<semaphore_mem>>) src(%dma_wait3A_259 : memref<32x1024xf32, #tpu.memory_space<hbm>>) dst(%dma_wait3A_257 : memref<32x1024xf32, #tpu.memory_space<vmem>>)
      %add3A_260 = arith.constant 96 : i32
      %add3A_261 = arith.addi %mul3A_2, %add3A_260 : i32
      %dma_start3A_262 = arith.constant 0 : i32
      %dma_start3A_263 = arith.constant 0 : i32
      %dma_start3A_264 = arith.constant 0 : i32
      %dma_start3A_265 = tpu.memref_slice %arg4[%dma_start3A_262, %dma_start3A_263, %dma_start3A_264] : memref<3x32x1024xf32, #tpu.memory_space<vmem>> -> memref<1x32x1024xf32, #tpu.memory_space<vmem>>
      %dma_start3A_266 = tpu.memref_squeeze %dma_start3A_265 : memref<1x32x1024xf32, #tpu.memory_space<vmem>> -> memref<32x1024xf32, #tpu.memory_space<vmem>>
      %dma_start3A_267 = arith.constant 0 : i32
      %dma_start3A_268 = tpu.memref_slice %arg3[%add3A_261, %dma_start3A_267] : memref<8192x1024xf32, #tpu.memory_space<hbm>> -> memref<32x1024xf32, #tpu.memory_space<hbm>>
      %dma_start3A_269 = arith.constant 0 : i32
      %dma_start3A_270 = tpu.memref_slice %arg3[%add3A_261, %dma_start3A_269] : memref<8192x1024xf32, #tpu.memory_space<hbm>> -> memref<32x1024xf32, #tpu.memory_space<hbm>>
      %dma_start3A_271 = arith.constant 0 : i32
      %dma_start3A_272 = arith.constant 0 : i32
      %dma_start3A_273 = tpu.memref_slice %arg4[%dma_start3A_262, %dma_start3A_271, %dma_start3A_272] : memref<3x32x1024xf32, #tpu.memory_space<vmem>> -> memref<1x32x1024xf32, #tpu.memory_space<vmem>>
      %dma_start3A_274 = tpu.memref_squeeze %dma_start3A_273 : memref<1x32x1024xf32, #tpu.memory_space<vmem>> -> memref<32x1024xf32, #tpu.memory_space<vmem>>
      tpu.enqueue_dma source(%dma_start3A_274 : memref<32x1024xf32, #tpu.memory_space<vmem>>) target(%dma_start3A_270 : memref<32x1024xf32, #tpu.memory_space<hbm>>) target_semaphore(%arg9 : memref<!tpu.dma_semaphore, #tpu.memory_space<semaphore_mem>>)
      %dma_wait3A_275 = arith.constant 0 : i32
      %dma_wait3A_276 = arith.constant 0 : i32
      %dma_wait3A_277 = arith.constant 0 : i32
      %dma_wait3A_278 = tpu.memref_slice %arg4[%dma_wait3A_275, %dma_wait3A_276, %dma_wait3A_277] : memref<3x32x1024xf32, #tpu.memory_space<vmem>> -> memref<1x32x1024xf32, #tpu.memory_space<vmem>>
      %dma_wait3A_279 = tpu.memref_squeeze %dma_wait3A_278 : memref<1x32x1024xf32, #tpu.memory_space<vmem>> -> memref<32x1024xf32, #tpu.memory_space<vmem>>
      %dma_wait3A_280 = arith.constant 0 : i32
      %dma_wait3A_281 = tpu.memref_slice %arg3[%add3A_261, %dma_wait3A_280] : memref<8192x1024xf32, #tpu.memory_space<hbm>> -> memref<32x1024xf32, #tpu.memory_space<hbm>>
      %dma_wait3A_282 = arith.constant 0 : i32
      %dma_wait3A_283 = tpu.memref_slice %arg3[%add3A_261, %dma_wait3A_282] : memref<8192x1024xf32, #tpu.memory_space<hbm>> -> memref<32x1024xf32, #tpu.memory_space<hbm>>
      %dma_wait3A_284 = arith.constant 0 : i32
      %dma_wait3A_285 = arith.constant 0 : i32
      %dma_wait3A_286 = tpu.memref_slice %arg4[%dma_wait3A_275, %dma_wait3A_284, %dma_wait3A_285] : memref<3x32x1024xf32, #tpu.memory_space<vmem>> -> memref<1x32x1024xf32, #tpu.memory_space<vmem>>
      %dma_wait3A_287 = tpu.memref_squeeze %dma_wait3A_286 : memref<1x32x1024xf32, #tpu.memory_space<vmem>> -> memref<32x1024xf32, #tpu.memory_space<vmem>>
      tpu.wait_dma2 semaphore(%arg9 : memref<!tpu.dma_semaphore, #tpu.memory_space<semaphore_mem>>) src(%dma_wait3A_287 : memref<32x1024xf32, #tpu.memory_space<vmem>>) dst(%dma_wait3A_283 : memref<32x1024xf32, #tpu.memory_space<hbm>>)
      %add3A_288 = arith.constant 192 : i32
      %add3A_289 = arith.addi %mul3A_2, %add3A_288 : i32
      %dma_start3A_290 = arith.constant 0 : i32
      %dma_start3A_291 = arith.constant 0 : i32
      %dma_start3A_292 = arith.constant 0 : i32
      %dma_start3A_293 = tpu.memref_slice %arg4[%dma_start3A_290, %dma_start3A_291, %dma_start3A_292] : memref<3x32x1024xf32, #tpu.memory_space<vmem>> -> memref<1x32x1024xf32, #tpu.memory_space<vmem>>
      %dma_start3A_294 = tpu.memref_squeeze %dma_start3A_293 : memref<1x32x1024xf32, #tpu.memory_space<vmem>> -> memref<32x1024xf32, #tpu.memory_space<vmem>>
      %dma_start3A_295 = arith.constant 0 : i32
      %dma_start3A_296 = tpu.memref_slice %arg2[%add3A_289, %dma_start3A_295] : memref<8192x1024xf32, #tpu.memory_space<hbm>> -> memref<32x1024xf32, #tpu.memory_space<hbm>>
      %dma_start3A_297 = arith.constant 0 : i32
      %dma_start3A_298 = arith.constant 0 : i32
      %dma_start3A_299 = tpu.memref_slice %arg4[%dma_start3A_290, %dma_start3A_297, %dma_start3A_298] : memref<3x32x1024xf32, #tpu.memory_space<vmem>> -> memref<1x32x1024xf32, #tpu.memory_space<vmem>>
      %dma_start3A_300 = tpu.memref_squeeze %dma_start3A_299 : memref<1x32x1024xf32, #tpu.memory_space<vmem>> -> memref<32x1024xf32, #tpu.memory_space<vmem>>
      %dma_start3A_301 = arith.constant 0 : i32
      %dma_start3A_302 = tpu.memref_slice %arg2[%add3A_289, %dma_start3A_301] : memref<8192x1024xf32, #tpu.memory_space<hbm>> -> memref<32x1024xf32, #tpu.memory_space<hbm>>
      tpu.enqueue_dma source(%dma_start3A_302 : memref<32x1024xf32, #tpu.memory_space<hbm>>) target(%dma_start3A_300 : memref<32x1024xf32, #tpu.memory_space<vmem>>) target_semaphore(%arg6 : memref<!tpu.dma_semaphore, #tpu.memory_space<semaphore_mem>>)
      %dma_wait3A_303 = arith.constant 1 : i32
      %dma_wait3A_304 = arith.constant 0 : i32
      %dma_wait3A_305 = arith.constant 0 : i32
      %dma_wait3A_306 = tpu.memref_slice %arg4[%dma_wait3A_303, %dma_wait3A_304, %dma_wait3A_305] : memref<3x32x1024xf32, #tpu.memory_space<vmem>> -> memref<1x32x1024xf32, #tpu.memory_space<vmem>>
      %dma_wait3A_307 = tpu.memref_squeeze %dma_wait3A_306 : memref<1x32x1024xf32, #tpu.memory_space<vmem>> -> memref<32x1024xf32, #tpu.memory_space<vmem>>
      %dma_wait3A_308 = arith.constant 0 : i32
      %dma_wait3A_309 = tpu.memref_slice %arg2[%add3A_177, %dma_wait3A_308] : memref<8192x1024xf32, #tpu.memory_space<hbm>> -> memref<32x1024xf32, #tpu.memory_space<hbm>>
      %dma_wait3A_310 = arith.constant 0 : i32
      %dma_wait3A_311 = arith.constant 0 : i32
      %dma_wait3A_312 = tpu.memref_slice %arg4[%dma_wait3A_303, %dma_wait3A_310, %dma_wait3A_311] : memref<3x32x1024xf32, #tpu.memory_space<vmem>> -> memref<1x32x1024xf32, #tpu.memory_space<vmem>>
      %dma_wait3A_313 = tpu.memref_squeeze %dma_wait3A_312 : memref<1x32x1024xf32, #tpu.memory_space<vmem>> -> memref<32x1024xf32, #tpu.memory_space<vmem>>
      %dma_wait3A_314 = arith.constant 0 : i32
      %dma_wait3A_315 = tpu.memref_slice %arg2[%add3A_177, %dma_wait3A_314] : memref<8192x1024xf32, #tpu.memory_space<hbm>> -> memref<32x1024xf32, #tpu.memory_space<hbm>>
      tpu.wait_dma2 semaphore(%arg7 : memref<!tpu.dma_semaphore, #tpu.memory_space<semaphore_mem>>) src(%dma_wait3A_315 : memref<32x1024xf32, #tpu.memory_space<hbm>>) dst(%dma_wait3A_313 : memref<32x1024xf32, #tpu.memory_space<vmem>>)
      %add3A_316 = arith.constant 128 : i32
      %add3A_317 = arith.addi %mul3A_2, %add3A_316 : i32
      %dma_start3A_318 = arith.constant 1 : i32
      %dma_start3A_319 = arith.constant 0 : i32
      %dma_start3A_320 = arith.constant 0 : i32
      %dma_start3A_321 = tpu.memref_slice %arg4[%dma_start3A_318, %dma_start3A_319, %dma_start3A_320] : memref<3x32x1024xf32, #tpu.memory_space<vmem>> -> memref<1x32x1024xf32, #tpu.memory_space<vmem>>
      %dma_start3A_322 = tpu.memref_squeeze %dma_start3A_321 : memref<1x32x1024xf32, #tpu.memory_space<vmem>> -> memref<32x1024xf32, #tpu.memory_space<vmem>>
      %dma_start3A_323 = arith.constant 0 : i32
      %dma_start3A_324 = tpu.memref_slice %arg3[%add3A_317, %dma_start3A_323] : memref<8192x1024xf32, #tpu.memory_space<hbm>> -> memref<32x1024xf32, #tpu.memory_space<hbm>>
      %dma_start3A_325 = arith.constant 0 : i32
      %dma_start3A_326 = tpu.memref_slice %arg3[%add3A_317, %dma_start3A_325] : memref<8192x1024xf32, #tpu.memory_space<hbm>> -> memref<32x1024xf32, #tpu.memory_space<hbm>>
      %dma_start3A_327 = arith.constant 0 : i32
      %dma_start3A_328 = arith.constant 0 : i32
      %dma_start3A_329 = tpu.memref_slice %arg4[%dma_start3A_318, %dma_start3A_327, %dma_start3A_328] : memref<3x32x1024xf32, #tpu.memory_space<vmem>> -> memref<1x32x1024xf32, #tpu.memory_space<vmem>>
      %dma_start3A_330 = tpu.memref_squeeze %dma_start3A_329 : memref<1x32x1024xf32, #tpu.memory_space<vmem>> -> memref<32x1024xf32, #tpu.memory_space<vmem>>
      tpu.enqueue_dma source(%dma_start3A_330 : memref<32x1024xf32, #tpu.memory_space<vmem>>) target(%dma_start3A_326 : memref<32x1024xf32, #tpu.memory_space<hbm>>) target_semaphore(%arg10 : memref<!tpu.dma_semaphore, #tpu.memory_space<semaphore_mem>>)
      %dma_wait3A_331 = arith.constant 1 : i32
      %dma_wait3A_332 = arith.constant 0 : i32
      %dma_wait3A_333 = arith.constant 0 : i32
      %dma_wait3A_334 = tpu.memref_slice %arg4[%dma_wait3A_331, %dma_wait3A_332, %dma_wait3A_333] : memref<3x32x1024xf32, #tpu.memory_space<vmem>> -> memref<1x32x1024xf32, #tpu.memory_space<vmem>>
      %dma_wait3A_335 = tpu.memref_squeeze %dma_wait3A_334 : memref<1x32x1024xf32, #tpu.memory_space<vmem>> -> memref<32x1024xf32, #tpu.memory_space<vmem>>
      %dma_wait3A_336 = arith.constant 0 : i32
      %dma_wait3A_337 = tpu.memref_slice %arg3[%add3A_317, %dma_wait3A_336] : memref<8192x1024xf32, #tpu.memory_space<hbm>> -> memref<32x1024xf32, #tpu.memory_space<hbm>>
      %dma_wait3A_338 = arith.constant 0 : i32
      %dma_wait3A_339 = tpu.memref_slice %arg3[%add3A_317, %dma_wait3A_338] : memref<8192x1024xf32, #tpu.memory_space<hbm>> -> memref<32x1024xf32, #tpu.memory_space<hbm>>
      %dma_wait3A_340 = arith.constant 0 : i32
      %dma_wait3A_341 = arith.constant 0 : i32
      %dma_wait3A_342 = tpu.memref_slice %arg4[%dma_wait3A_331, %dma_wait3A_340, %dma_wait3A_341] : memref<3x32x1024xf32, #tpu.memory_space<vmem>> -> memref<1x32x1024xf32, #tpu.memory_space<vmem>>
      %dma_wait3A_343 = tpu.memref_squeeze %dma_wait3A_342 : memref<1x32x1024xf32, #tpu.memory_space<vmem>> -> memref<32x1024xf32, #tpu.memory_space<vmem>>
      tpu.wait_dma2 semaphore(%arg10 : memref<!tpu.dma_semaphore, #tpu.memory_space<semaphore_mem>>) src(%dma_wait3A_343 : memref<32x1024xf32, #tpu.memory_space<vmem>>) dst(%dma_wait3A_339 : memref<32x1024xf32, #tpu.memory_space<hbm>>)
      %add3A_344 = arith.constant 224 : i32
      %add3A_345 = arith.addi %mul3A_2, %add3A_344 : i32
      %dma_start3A_346 = arith.constant 1 : i32
      %dma_start3A_347 = arith.constant 0 : i32
      %dma_start3A_348 = arith.constant 0 : i32
      %dma_start3A_349 = tpu.memref_slice %arg4[%dma_start3A_346, %dma_start3A_347, %dma_start3A_348] : memref<3x32x1024xf32, #tpu.memory_space<vmem>> -> memref<1x32x1024xf32, #tpu.memory_space<vmem>>
      %dma_start3A_350 = tpu.memref_squeeze %dma_start3A_349 : memref<1x32x1024xf32, #tpu.memory_space<vmem>> -> memref<32x1024xf32, #tpu.memory_space<vmem>>
      %dma_start3A_351 = arith.constant 0 : i32
      %dma_start3A_352 = tpu.memref_slice %arg2[%add3A_345, %dma_start3A_351] : memref<8192x1024xf32, #tpu.memory_space<hbm>> -> memref<32x1024xf32, #tpu.memory_space<hbm>>
      %dma_start3A_353 = arith.constant 0 : i32
      %dma_start3A_354 = arith.constant 0 : i32
      %dma_start3A_355 = tpu.memref_slice %arg4[%dma_start3A_346, %dma_start3A_353, %dma_start3A_354] : memref<3x32x1024xf32, #tpu.memory_space<vmem>> -> memref<1x32x1024xf32, #tpu.memory_space<vmem>>
      %dma_start3A_356 = tpu.memref_squeeze %dma_start3A_355 : memref<1x32x1024xf32, #tpu.memory_space<vmem>> -> memref<32x1024xf32, #tpu.memory_space<vmem>>
      %dma_start3A_357 = arith.constant 0 : i32
      %dma_start3A_358 = tpu.memref_slice %arg2[%add3A_345, %dma_start3A_357] : memref<8192x1024xf32, #tpu.memory_space<hbm>> -> memref<32x1024xf32, #tpu.memory_space<hbm>>
      tpu.enqueue_dma source(%dma_start3A_358 : memref<32x1024xf32, #tpu.memory_space<hbm>>) target(%dma_start3A_356 : memref<32x1024xf32, #tpu.memory_space<vmem>>) target_semaphore(%arg7 : memref<!tpu.dma_semaphore, #tpu.memory_space<semaphore_mem>>)
      %dma_wait3A_359 = arith.constant 2 : i32
      %dma_wait3A_360 = arith.constant 0 : i32
      %dma_wait3A_361 = arith.constant 0 : i32
      %dma_wait3A_362 = tpu.memref_slice %arg4[%dma_wait3A_359, %dma_wait3A_360, %dma_wait3A_361] : memref<3x32x1024xf32, #tpu.memory_space<vmem>> -> memref<1x32x1024xf32, #tpu.memory_space<vmem>>
      %dma_wait3A_363 = tpu.memref_squeeze %dma_wait3A_362 : memref<1x32x1024xf32, #tpu.memory_space<vmem>> -> memref<32x1024xf32, #tpu.memory_space<vmem>>
      %dma_wait3A_364 = arith.constant 0 : i32
      %dma_wait3A_365 = tpu.memref_slice %arg2[%add3A_233, %dma_wait3A_364] : memref<8192x1024xf32, #tpu.memory_space<hbm>> -> memref<32x1024xf32, #tpu.memory_space<hbm>>
      %dma_wait3A_366 = arith.constant 0 : i32
      %dma_wait3A_367 = arith.constant 0 : i32
      %dma_wait3A_368 = tpu.memref_slice %arg4[%dma_wait3A_359, %dma_wait3A_366, %dma_wait3A_367] : memref<3x32x1024xf32, #tpu.memory_space<vmem>> -> memref<1x32x1024xf32, #tpu.memory_space<vmem>>
      %dma_wait3A_369 = tpu.memref_squeeze %dma_wait3A_368 : memref<1x32x1024xf32, #tpu.memory_space<vmem>> -> memref<32x1024xf32, #tpu.memory_space<vmem>>
      %dma_wait3A_370 = arith.constant 0 : i32
      %dma_wait3A_371 = tpu.memref_slice %arg2[%add3A_233, %dma_wait3A_370] : memref<8192x1024xf32, #tpu.memory_space<hbm>> -> memref<32x1024xf32, #tpu.memory_space<hbm>>
      tpu.wait_dma2 semaphore(%arg8 : memref<!tpu.dma_semaphore, #tpu.memory_space<semaphore_mem>>) src(%dma_wait3A_371 : memref<32x1024xf32, #tpu.memory_space<hbm>>) dst(%dma_wait3A_369 : memref<32x1024xf32, #tpu.memory_space<vmem>>)
      %add3A_372 = arith.constant 160 : i32
      %add3A_373 = arith.addi %mul3A_2, %add3A_372 : i32
      %dma_start3A_374 = arith.constant 2 : i32
      %dma_start3A_375 = arith.constant 0 : i32
      %dma_start3A_376 = arith.constant 0 : i32
      %dma_start3A_377 = tpu.memref_slice %arg4[%dma_start3A_374, %dma_start3A_375, %dma_start3A_376] : memref<3x32x1024xf32, #tpu.memory_space<vmem>> -> memref<1x32x1024xf32, #tpu.memory_space<vmem>>
      %dma_start3A_378 = tpu.memref_squeeze %dma_start3A_377 : memref<1x32x1024xf32, #tpu.memory_space<vmem>> -> memref<32x1024xf32, #tpu.memory_space<vmem>>
      %dma_start3A_379 = arith.constant 0 : i32
      %dma_start3A_380 = tpu.memref_slice %arg3[%add3A_373, %dma_start3A_379] : memref<8192x1024xf32, #tpu.memory_space<hbm>> -> memref<32x1024xf32, #tpu.memory_space<hbm>>
      %dma_start3A_381 = arith.constant 0 : i32
      %dma_start3A_382 = tpu.memref_slice %arg3[%add3A_373, %dma_start3A_381] : memref<8192x1024xf32, #tpu.memory_space<hbm>> -> memref<32x1024xf32, #tpu.memory_space<hbm>>
      %dma_start3A_383 = arith.constant 0 : i32
      %dma_start3A_384 = arith.constant 0 : i32
      %dma_start3A_385 = tpu.memref_slice %arg4[%dma_start3A_374, %dma_start3A_383, %dma_start3A_384] : memref<3x32x1024xf32, #tpu.memory_space<vmem>> -> memref<1x32x1024xf32, #tpu.memory_space<vmem>>
      %dma_start3A_386 = tpu.memref_squeeze %dma_start3A_385 : memref<1x32x1024xf32, #tpu.memory_space<vmem>> -> memref<32x1024xf32, #tpu.memory_space<vmem>>
      tpu.enqueue_dma source(%dma_start3A_386 : memref<32x1024xf32, #tpu.memory_space<vmem>>) target(%dma_start3A_382 : memref<32x1024xf32, #tpu.memory_space<hbm>>) target_semaphore(%arg11 : memref<!tpu.dma_semaphore, #tpu.memory_space<semaphore_mem>>)
      %dma_wait3A_387 = arith.constant 0 : i32
      %dma_wait3A_388 = arith.constant 0 : i32
      %dma_wait3A_389 = arith.constant 0 : i32
      %dma_wait3A_390 = tpu.memref_slice %arg4[%dma_wait3A_387, %dma_wait3A_388, %dma_wait3A_389] : memref<3x32x1024xf32, #tpu.memory_space<vmem>> -> memref<1x32x1024xf32, #tpu.memory_space<vmem>>
      %dma_wait3A_391 = tpu.memref_squeeze %dma_wait3A_390 : memref<1x32x1024xf32, #tpu.memory_space<vmem>> -> memref<32x1024xf32, #tpu.memory_space<vmem>>
      %dma_wait3A_392 = arith.constant 0 : i32
      %dma_wait3A_393 = tpu.memref_slice %arg2[%add3A_289, %dma_wait3A_392] : memref<8192x1024xf32, #tpu.memory_space<hbm>> -> memref<32x1024xf32, #tpu.memory_space<hbm>>
      %dma_wait3A_394 = arith.constant 0 : i32
      %dma_wait3A_395 = arith.constant 0 : i32
      %dma_wait3A_396 = tpu.memref_slice %arg4[%dma_wait3A_387, %dma_wait3A_394, %dma_wait3A_395] : memref<3x32x1024xf32, #tpu.memory_space<vmem>> -> memref<1x32x1024xf32, #tpu.memory_space<vmem>>
      %dma_wait3A_397 = tpu.memref_squeeze %dma_wait3A_396 : memref<1x32x1024xf32, #tpu.memory_space<vmem>> -> memref<32x1024xf32, #tpu.memory_space<vmem>>
      %dma_wait3A_398 = arith.constant 0 : i32
      %dma_wait3A_399 = tpu.memref_slice %arg2[%add3A_289, %dma_wait3A_398] : memref<8192x1024xf32, #tpu.memory_space<hbm>> -> memref<32x1024xf32, #tpu.memory_space<hbm>>
      tpu.wait_dma2 semaphore(%arg6 : memref<!tpu.dma_semaphore, #tpu.memory_space<semaphore_mem>>) src(%dma_wait3A_399 : memref<32x1024xf32, #tpu.memory_space<hbm>>) dst(%dma_wait3A_397 : memref<32x1024xf32, #tpu.memory_space<vmem>>)
      %add3A_400 = arith.constant 192 : i32
      %add3A_401 = arith.addi %mul3A_2, %add3A_400 : i32
      %dma_start3A_402 = arith.constant 0 : i32
      %dma_start3A_403 = arith.constant 0 : i32
      %dma_start3A_404 = arith.constant 0 : i32
      %dma_start3A_405 = tpu.memref_slice %arg4[%dma_start3A_402, %dma_start3A_403, %dma_start3A_404] : memref<3x32x1024xf32, #tpu.memory_space<vmem>> -> memref<1x32x1024xf32, #tpu.memory_space<vmem>>
      %dma_start3A_406 = tpu.memref_squeeze %dma_start3A_405 : memref<1x32x1024xf32, #tpu.memory_space<vmem>> -> memref<32x1024xf32, #tpu.memory_space<vmem>>
      %dma_start3A_407 = arith.constant 0 : i32
      %dma_start3A_408 = tpu.memref_slice %arg3[%add3A_401, %dma_start3A_407] : memref<8192x1024xf32, #tpu.memory_space<hbm>> -> memref<32x1024xf32, #tpu.memory_space<hbm>>
      %dma_start3A_409 = arith.constant 0 : i32
      %dma_start3A_410 = tpu.memref_slice %arg3[%add3A_401, %dma_start3A_409] : memref<8192x1024xf32, #tpu.memory_space<hbm>> -> memref<32x1024xf32, #tpu.memory_space<hbm>>
      %dma_start3A_411 = arith.constant 0 : i32
      %dma_start3A_412 = arith.constant 0 : i32
      %dma_start3A_413 = tpu.memref_slice %arg4[%dma_start3A_402, %dma_start3A_411, %dma_start3A_412] : memref<3x32x1024xf32, #tpu.memory_space<vmem>> -> memref<1x32x1024xf32, #tpu.memory_space<vmem>>
      %dma_start3A_414 = tpu.memref_squeeze %dma_start3A_413 : memref<1x32x1024xf32, #tpu.memory_space<vmem>> -> memref<32x1024xf32, #tpu.memory_space<vmem>>
      tpu.enqueue_dma source(%dma_start3A_414 : memref<32x1024xf32, #tpu.memory_space<vmem>>) target(%dma_start3A_410 : memref<32x1024xf32, #tpu.memory_space<hbm>>) target_semaphore(%arg9 : memref<!tpu.dma_semaphore, #tpu.memory_space<semaphore_mem>>)
      %dma_wait3A_415 = arith.constant 1 : i32
      %dma_wait3A_416 = arith.constant 0 : i32
      %dma_wait3A_417 = arith.constant 0 : i32
      %dma_wait3A_418 = tpu.memref_slice %arg4[%dma_wait3A_415, %dma_wait3A_416, %dma_wait3A_417] : memref<3x32x1024xf32, #tpu.memory_space<vmem>> -> memref<1x32x1024xf32, #tpu.memory_space<vmem>>
      %dma_wait3A_419 = tpu.memref_squeeze %dma_wait3A_418 : memref<1x32x1024xf32, #tpu.memory_space<vmem>> -> memref<32x1024xf32, #tpu.memory_space<vmem>>
      %dma_wait3A_420 = arith.constant 0 : i32
      %dma_wait3A_421 = tpu.memref_slice %arg2[%add3A_345, %dma_wait3A_420] : memref<8192x1024xf32, #tpu.memory_space<hbm>> -> memref<32x1024xf32, #tpu.memory_space<hbm>>
      %dma_wait3A_422 = arith.constant 0 : i32
      %dma_wait3A_423 = arith.constant 0 : i32
      %dma_wait3A_424 = tpu.memref_slice %arg4[%dma_wait3A_415, %dma_wait3A_422, %dma_wait3A_423] : memref<3x32x1024xf32, #tpu.memory_space<vmem>> -> memref<1x32x1024xf32, #tpu.memory_space<vmem>>
      %dma_wait3A_425 = tpu.memref_squeeze %dma_wait3A_424 : memref<1x32x1024xf32, #tpu.memory_space<vmem>> -> memref<32x1024xf32, #tpu.memory_space<vmem>>
      %dma_wait3A_426 = arith.constant 0 : i32
      %dma_wait3A_427 = tpu.memref_slice %arg2[%add3A_345, %dma_wait3A_426] : memref<8192x1024xf32, #tpu.memory_space<hbm>> -> memref<32x1024xf32, #tpu.memory_space<hbm>>
      tpu.wait_dma2 semaphore(%arg7 : memref<!tpu.dma_semaphore, #tpu.memory_space<semaphore_mem>>) src(%dma_wait3A_427 : memref<32x1024xf32, #tpu.memory_space<hbm>>) dst(%dma_wait3A_425 : memref<32x1024xf32, #tpu.memory_space<vmem>>)
      %add3A_428 = arith.constant 224 : i32
      %add3A_429 = arith.addi %mul3A_2, %add3A_428 : i32
      %dma_start3A_430 = arith.constant 1 : i32
      %dma_start3A_431 = arith.constant 0 : i32
      %dma_start3A_432 = arith.constant 0 : i32
      %dma_start3A_433 = tpu.memref_slice %arg4[%dma_start3A_430, %dma_start3A_431, %dma_start3A_432] : memref<3x32x1024xf32, #tpu.memory_space<vmem>> -> memref<1x32x1024xf32, #tpu.memory_space<vmem>>
      %dma_start3A_434 = tpu.memref_squeeze %dma_start3A_433 : memref<1x32x1024xf32, #tpu.memory_space<vmem>> -> memref<32x1024xf32, #tpu.memory_space<vmem>>
      %dma_start3A_435 = arith.constant 0 : i32
      %dma_start3A_436 = tpu.memref_slice %arg3[%add3A_429, %dma_start3A_435] : memref<8192x1024xf32, #tpu.memory_space<hbm>> -> memref<32x1024xf32, #tpu.memory_space<hbm>>
      %dma_start3A_437 = arith.constant 0 : i32
      %dma_start3A_438 = tpu.memref_slice %arg3[%add3A_429, %dma_start3A_437] : memref<8192x1024xf32, #tpu.memory_space<hbm>> -> memref<32x1024xf32, #tpu.memory_space<hbm>>
      %dma_start3A_439 = arith.constant 0 : i32
      %dma_start3A_440 = arith.constant 0 : i32
      %dma_start3A_441 = tpu.memref_slice %arg4[%dma_start3A_430, %dma_start3A_439, %dma_start3A_440] : memref<3x32x1024xf32, #tpu.memory_space<vmem>> -> memref<1x32x1024xf32, #tpu.memory_space<vmem>>
      %dma_start3A_442 = tpu.memref_squeeze %dma_start3A_441 : memref<1x32x1024xf32, #tpu.memory_space<vmem>> -> memref<32x1024xf32, #tpu.memory_space<vmem>>
      tpu.enqueue_dma source(%dma_start3A_442 : memref<32x1024xf32, #tpu.memory_space<vmem>>) target(%dma_start3A_438 : memref<32x1024xf32, #tpu.memory_space<hbm>>) target_semaphore(%arg10 : memref<!tpu.dma_semaphore, #tpu.memory_space<semaphore_mem>>)
      %dma_wait3A_443 = arith.constant 0 : i32
      %dma_wait3A_444 = arith.constant 0 : i32
      %dma_wait3A_445 = arith.constant 0 : i32
      %dma_wait3A_446 = tpu.memref_slice %arg4[%dma_wait3A_443, %dma_wait3A_444, %dma_wait3A_445] : memref<3x32x1024xf32, #tpu.memory_space<vmem>> -> memref<1x32x1024xf32, #tpu.memory_space<vmem>>
      %dma_wait3A_447 = tpu.memref_squeeze %dma_wait3A_446 : memref<1x32x1024xf32, #tpu.memory_space<vmem>> -> memref<32x1024xf32, #tpu.memory_space<vmem>>
      %dma_wait3A_448 = arith.constant 0 : i32
      %dma_wait3A_449 = tpu.memref_slice %arg3[%add3A_401, %dma_wait3A_448] : memref<8192x1024xf32, #tpu.memory_space<hbm>> -> memref<32x1024xf32, #tpu.memory_space<hbm>>
      %dma_wait3A_450 = arith.constant 0 : i32
      %dma_wait3A_451 = tpu.memref_slice %arg3[%add3A_401, %dma_wait3A_450] : memref<8192x1024xf32, #tpu.memory_space<hbm>> -> memref<32x1024xf32, #tpu.memory_space<hbm>>
      %dma_wait3A_452 = arith.constant 0 : i32
      %dma_wait3A_453 = arith.constant 0 : i32
      %dma_wait3A_454 = tpu.memref_slice %arg4[%dma_wait3A_443, %dma_wait3A_452, %dma_wait3A_453] : memref<3x32x1024xf32, #tpu.memory_space<vmem>> -> memref<1x32x1024xf32, #tpu.memory_space<vmem>>
      %dma_wait3A_455 = tpu.memref_squeeze %dma_wait3A_454 : memref<1x32x1024xf32, #tpu.memory_space<vmem>> -> memref<32x1024xf32, #tpu.memory_space<vmem>>
      tpu.wait_dma2 semaphore(%arg9 : memref<!tpu.dma_semaphore, #tpu.memory_space<semaphore_mem>>) src(%dma_wait3A_455 : memref<32x1024xf32, #tpu.memory_space<vmem>>) dst(%dma_wait3A_451 : memref<32x1024xf32, #tpu.memory_space<hbm>>)
      %dma_wait3A_456 = arith.constant 1 : i32
      %dma_wait3A_457 = arith.constant 0 : i32
      %dma_wait3A_458 = arith.constant 0 : i32
      %dma_wait3A_459 = tpu.memref_slice %arg4[%dma_wait3A_456, %dma_wait3A_457, %dma_wait3A_458] : memref<3x32x1024xf32, #tpu.memory_space<vmem>> -> memref<1x32x1024xf32, #tpu.memory_space<vmem>>
      %dma_wait3A_460 = tpu.memref_squeeze %dma_wait3A_459 : memref<1x32x1024xf32, #tpu.memory_space<vmem>> -> memref<32x1024xf32, #tpu.memory_space<vmem>>
      %dma_wait3A_461 = arith.constant 0 : i32
      %dma_wait3A_462 = tpu.memref_slice %arg3[%add3A_429, %dma_wait3A_461] : memref<8192x1024xf32, #tpu.memory_space<hbm>> -> memref<32x1024xf32, #tpu.memory_space<hbm>>
      %dma_wait3A_463 = arith.constant 0 : i32
      %dma_wait3A_464 = tpu.memref_slice %arg3[%add3A_429, %dma_wait3A_463] : memref<8192x1024xf32, #tpu.memory_space<hbm>> -> memref<32x1024xf32, #tpu.memory_space<hbm>>
      %dma_wait3A_465 = arith.constant 0 : i32
      %dma_wait3A_466 = arith.constant 0 : i32
      %dma_wait3A_467 = tpu.memref_slice %arg4[%dma_wait3A_456, %dma_wait3A_465, %dma_wait3A_466] : memref<3x32x1024xf32, #tpu.memory_space<vmem>> -> memref<1x32x1024xf32, #tpu.memory_space<vmem>>
      %dma_wait3A_468 = tpu.memref_squeeze %dma_wait3A_467 : memref<1x32x1024xf32, #tpu.memory_space<vmem>> -> memref<32x1024xf32, #tpu.memory_space<vmem>>
      tpu.wait_dma2 semaphore(%arg10 : memref<!tpu.dma_semaphore, #tpu.memory_space<semaphore_mem>>) src(%dma_wait3A_468 : memref<32x1024xf32, #tpu.memory_space<vmem>>) dst(%dma_wait3A_464 : memref<32x1024xf32, #tpu.memory_space<hbm>>)
      %dma_wait3A_469 = arith.constant 2 : i32
      %dma_wait3A_470 = arith.constant 0 : i32
      %dma_wait3A_471 = arith.constant 0 : i32
      %dma_wait3A_472 = tpu.memref_slice %arg4[%dma_wait3A_469, %dma_wait3A_470, %dma_wait3A_471] : memref<3x32x1024xf32, #tpu.memory_space<vmem>> -> memref<1x32x1024xf32, #tpu.memory_space<vmem>>
      %dma_wait3A_473 = tpu.memref_squeeze %dma_wait3A_472 : memref<1x32x1024xf32, #tpu.memory_space<vmem>> -> memref<32x1024xf32, #tpu.memory_space<vmem>>
      %dma_wait3A_474 = arith.constant 0 : i32
      %dma_wait3A_475 = tpu.memref_slice %arg3[%add3A_373, %dma_wait3A_474] : memref<8192x1024xf32, #tpu.memory_space<hbm>> -> memref<32x1024xf32, #tpu.memory_space<hbm>>
      %dma_wait3A_476 = arith.constant 0 : i32
      %dma_wait3A_477 = tpu.memref_slice %arg3[%add3A_373, %dma_wait3A_476] : memref<8192x1024xf32, #tpu.memory_space<hbm>> -> memref<32x1024xf32, #tpu.memory_space<hbm>>
      %dma_wait3A_478 = arith.constant 0 : i32
      %dma_wait3A_479 = arith.constant 0 : i32
      %dma_wait3A_480 = tpu.memref_slice %arg4[%dma_wait3A_469, %dma_wait3A_478, %dma_wait3A_479] : memref<3x32x1024xf32, #tpu.memory_space<vmem>> -> memref<1x32x1024xf32, #tpu.memory_space<vmem>>
      %dma_wait3A_481 = tpu.memref_squeeze %dma_wait3A_480 : memref<1x32x1024xf32, #tpu.memory_space<vmem>> -> memref<32x1024xf32, #tpu.memory_space<vmem>>
      tpu.wait_dma2 semaphore(%arg11 : memref<!tpu.dma_semaphore, #tpu.memory_space<semaphore_mem>>) src(%dma_wait3A_481 : memref<32x1024xf32, #tpu.memory_space<vmem>>) dst(%dma_wait3A_477 : memref<32x1024xf32, #tpu.memory_space<hbm>>)
    } else {
    }
    %jit3A_15 = arith.constant 2 : i32
    %eq3A_16 = arith.constant 0 : i32
    %eq3A_17 = arith.cmpi eq, %jit3A_15, %eq3A_16 : i32
    %jit3A_18 = arith.constant 1 : i32
    %select_n3A_19 = arith.select %eq3A_17, %jit3A_18, %jit3A_15 : i32
    %rem3A_20 = arith.remsi %arg1, %select_n3A_19 : i32
    %ne3A_21 = arith.constant 0 : i32
    %ne3A_22 = arith.cmpi ne, %rem3A_20, %ne3A_21 : i32
    %lt3A_23 = arith.constant 0 : i32
    %lt3A_24 = arith.cmpi slt, %rem3A_20, %lt3A_23 : i32
    %lt3A_25 = arith.constant 0 : i32
    %lt3A_26 = arith.cmpi slt, %select_n3A_19, %lt3A_25 : i32
    %ne3A_27 = arith.xori %lt3A_24, %lt3A_26 : i1
    %and3A_28 = arith.andi %ne3A_27, %ne3A_22 : i1
    %add3A_29 = arith.addi %rem3A_20, %select_n3A_19 : i32
    %select_n3A_30 = arith.select %and3A_28, %add3A_29, %rem3A_20 : i32
    %eq3A_31 = arith.constant 1 : i32
    %eq3A_32 = arith.cmpi eq, %select_n3A_30, %eq3A_31 : i32
    %convert_element_type3A_33 = arith.extui %eq3A_32 : i1 to i32
    %cond3A_34 = arith.constant 0 : i32
    %cond3A_35 = arith.cmpi ne, %convert_element_type3A_33, %cond3A_34 : i32
    scf.if %cond3A_35 {
      %add3A_36 = arith.constant 0 : i32
      %add3A_37 = arith.addi %mul3A_2, %add3A_36 : i32
      %jit3A_38 = arith.constant 2 : i32
      %div3A = arith.divsi %arg1, %jit3A_38 : i32
      %sign3A = arith.constant 0 : i32
      %sign3A_39 = arith.cmpi sgt, %arg1, %sign3A : i32
      %sign3A_40 = arith.extui %sign3A_39 : i1 to i32
      %sign3A_41 = arith.constant 0 : i32
      %sign3A_42 = arith.cmpi slt, %arg1, %sign3A_41 : i32
      %sign3A_43 = arith.extui %sign3A_42 : i1 to i32
      %sign3A_44 = arith.subi %sign3A_40, %sign3A_43 : i32
      %sign3A_45 = arith.constant 0 : i32
      %sign3A_46 = arith.cmpi sgt, %jit3A_38, %sign3A_45 : i32
      %sign3A_47 = arith.extui %sign3A_46 : i1 to i32
      %sign3A_48 = arith.constant 0 : i32
      %sign3A_49 = arith.cmpi slt, %jit3A_38, %sign3A_48 : i32
      %sign3A_50 = arith.extui %sign3A_49 : i1 to i32
      %sign3A_51 = arith.subi %sign3A_47, %sign3A_50 : i32
      %ne3A_52 = arith.cmpi ne, %sign3A_44, %sign3A_51 : i32
      %rem3A_53 = arith.remsi %arg1, %jit3A_38 : i32
      %ne3A_54 = arith.constant 0 : i32
      %ne3A_55 = arith.cmpi ne, %rem3A_53, %ne3A_54 : i32
      %and3A_56 = arith.andi %ne3A_52, %ne3A_55 : i1
      %sub3A = arith.constant 1 : i32
      %sub3A_57 = arith.subi %div3A, %sub3A : i32
      %select_n3A_58 = arith.select %and3A_56, %sub3A_57, %div3A : i32
      %dma_start3A = arith.constant 0 : i32
      %dma_start3A_59 = arith.constant 0 : i32
      %dma_start3A_60 = arith.constant 0 : i32
      %dma_start3A_61 = tpu.memref_slice %arg5[%select_n3A_58, %dma_start3A, %dma_start3A_59, %dma_start3A_60] : memref<8x2x16x1024xf32, #tpu.memory_space<vmem_shared>> -> memref<1x1x16x1024xf32, #tpu.memory_space<vmem_shared>>
      %dma_start3A_62 = tpu.memref_squeeze %dma_start3A_61 : memref<1x1x16x1024xf32, #tpu.memory_space<vmem_shared>> -> memref<16x1024xf32, #tpu.memory_space<vmem_shared>>
      %dma_start3A_63 = arith.constant 0 : i32
      %dma_start3A_64 = tpu.memref_slice %arg2[%add3A_37, %dma_start3A_63] : memref<8192x1024xf32, #tpu.memory_space<hbm>> -> memref<16x1024xf32, #tpu.memory_space<hbm>>
      tpu.enqueue_dma source(%dma_start3A_64 : memref<16x1024xf32, #tpu.memory_space<hbm>>) target(%dma_start3A_62 : memref<16x1024xf32, #tpu.memory_space<vmem_shared>>) target_semaphore(%arg6 : memref<!tpu.dma_semaphore, #tpu.memory_space<semaphore_mem>>)
      %add3A_65 = arith.constant 16 : i32
      %add3A_66 = arith.addi %mul3A_2, %add3A_65 : i32
      %jit3A_67 = arith.constant 2 : i32
      %div3A_68 = arith.divsi %arg1, %jit3A_67 : i32
      %sign3A_69 = arith.constant 0 : i32
      %sign3A_70 = arith.cmpi sgt, %arg1, %sign3A_69 : i32
      %sign3A_71 = arith.extui %sign3A_70 : i1 to i32
      %sign3A_72 = arith.constant 0 : i32
      %sign3A_73 = arith.cmpi slt, %arg1, %sign3A_72 : i32
      %sign3A_74 = arith.extui %sign3A_73 : i1 to i32
      %sign3A_75 = arith.subi %sign3A_71, %sign3A_74 : i32
      %sign3A_76 = arith.constant 0 : i32
      %sign3A_77 = arith.cmpi sgt, %jit3A_67, %sign3A_76 : i32
      %sign3A_78 = arith.extui %sign3A_77 : i1 to i32
      %sign3A_79 = arith.constant 0 : i32
      %sign3A_80 = arith.cmpi slt, %jit3A_67, %sign3A_79 : i32
      %sign3A_81 = arith.extui %sign3A_80 : i1 to i32
      %sign3A_82 = arith.subi %sign3A_78, %sign3A_81 : i32
      %ne3A_83 = arith.cmpi ne, %sign3A_75, %sign3A_82 : i32
      %rem3A_84 = arith.remsi %arg1, %jit3A_67 : i32
      %ne3A_85 = arith.constant 0 : i32
      %ne3A_86 = arith.cmpi ne, %rem3A_84, %ne3A_85 : i32
      %and3A_87 = arith.andi %ne3A_83, %ne3A_86 : i1
      %sub3A_88 = arith.constant 1 : i32
      %sub3A_89 = arith.subi %div3A_68, %sub3A_88 : i32
      %select_n3A_90 = arith.select %and3A_87, %sub3A_89, %div3A_68 : i32
      %dma_start3A_91 = arith.constant 1 : i32
      %dma_start3A_92 = arith.constant 0 : i32
      %dma_start3A_93 = arith.constant 0 : i32
      %dma_start3A_94 = tpu.memref_slice %arg5[%select_n3A_90, %dma_start3A_91, %dma_start3A_92, %dma_start3A_93] : memref<8x2x16x1024xf32, #tpu.memory_space<vmem_shared>> -> memref<1x1x16x1024xf32, #tpu.memory_space<vmem_shared>>
      %dma_start3A_95 = tpu.memref_squeeze %dma_start3A_94 : memref<1x1x16x1024xf32, #tpu.memory_space<vmem_shared>> -> memref<16x1024xf32, #tpu.memory_space<vmem_shared>>
      %dma_start3A_96 = arith.constant 0 : i32
      %dma_start3A_97 = tpu.memref_slice %arg2[%add3A_66, %dma_start3A_96] : memref<8192x1024xf32, #tpu.memory_space<hbm>> -> memref<16x1024xf32, #tpu.memory_space<hbm>>
      tpu.enqueue_dma source(%dma_start3A_97 : memref<16x1024xf32, #tpu.memory_space<hbm>>) target(%dma_start3A_95 : memref<16x1024xf32, #tpu.memory_space<vmem_shared>>) target_semaphore(%arg7 : memref<!tpu.dma_semaphore, #tpu.memory_space<semaphore_mem>>)
      %dma_wait3A = arith.constant 0 : i32
      %dma_wait3A_98 = arith.constant 0 : i32
      %dma_wait3A_99 = arith.constant 0 : i32
      %dma_wait3A_100 = tpu.memref_slice %arg5[%select_n3A_58, %dma_wait3A, %dma_wait3A_98, %dma_wait3A_99] : memref<8x2x16x1024xf32, #tpu.memory_space<vmem_shared>> -> memref<1x1x16x1024xf32, #tpu.memory_space<vmem_shared>>
      %dma_wait3A_101 = tpu.memref_squeeze %dma_wait3A_100 : memref<1x1x16x1024xf32, #tpu.memory_space<vmem_shared>> -> memref<16x1024xf32, #tpu.memory_space<vmem_shared>>
      %dma_wait3A_102 = arith.constant 0 : i32
      %dma_wait3A_103 = tpu.memref_slice %arg2[%add3A_37, %dma_wait3A_102] : memref<8192x1024xf32, #tpu.memory_space<hbm>> -> memref<16x1024xf32, #tpu.memory_space<hbm>>
      tpu.wait_dma2 semaphore(%arg6 : memref<!tpu.dma_semaphore, #tpu.memory_space<semaphore_mem>>) src(%dma_wait3A_103 : memref<16x1024xf32, #tpu.memory_space<hbm>>) dst(%dma_wait3A_101 : memref<16x1024xf32, #tpu.memory_space<vmem_shared>>)
      %jit3A_104 = arith.constant 2 : i32
      %div3A_105 = arith.divsi %arg1, %jit3A_104 : i32
      %sign3A_106 = arith.constant 0 : i32
      %sign3A_107 = arith.cmpi sgt, %arg1, %sign3A_106 : i32
      %sign3A_108 = arith.extui %sign3A_107 : i1 to i32
      %sign3A_109 = arith.constant 0 : i32
      %sign3A_110 = arith.cmpi slt, %arg1, %sign3A_109 : i32
      %sign3A_111 = arith.extui %sign3A_110 : i1 to i32
      %sign3A_112 = arith.subi %sign3A_108, %sign3A_111 : i32
      %sign3A_113 = arith.constant 0 : i32
      %sign3A_114 = arith.cmpi sgt, %jit3A_104, %sign3A_113 : i32
      %sign3A_115 = arith.extui %sign3A_114 : i1 to i32
      %sign3A_116 = arith.constant 0 : i32
      %sign3A_117 = arith.cmpi slt, %jit3A_104, %sign3A_116 : i32
      %sign3A_118 = arith.extui %sign3A_117 : i1 to i32
      %sign3A_119 = arith.subi %sign3A_115, %sign3A_118 : i32
      %ne3A_120 = arith.cmpi ne, %sign3A_112, %sign3A_119 : i32
      %rem3A_121 = arith.remsi %arg1, %jit3A_104 : i32
      %ne3A_122 = arith.constant 0 : i32
      %ne3A_123 = arith.cmpi ne, %rem3A_121, %ne3A_122 : i32
      %and3A_124 = arith.andi %ne3A_120, %ne3A_123 : i1
      %sub3A_125 = arith.constant 1 : i32
      %sub3A_126 = arith.subi %div3A_105, %sub3A_125 : i32
      %select_n3A_127 = arith.select %and3A_124, %sub3A_126, %div3A_105 : i32
      %add3A_128 = arith.constant 0 : i32
      %add3A_129 = arith.addi %mul3A_2, %add3A_128 : i32
      %dma_start3A_130 = arith.constant 0 : i32
      %dma_start3A_131 = arith.constant 0 : i32
      %dma_start3A_132 = tpu.memref_slice %arg3[%add3A_129, %dma_start3A_131] : memref<8192x1024xf32, #tpu.memory_space<hbm>> -> memref<16x1024xf32, #tpu.memory_space<hbm>>
      %dma_start3A_133 = arith.constant 0 : i32
      %dma_start3A_134 = arith.constant 0 : i32
      %dma_start3A_135 = tpu.memref_slice %arg5[%select_n3A_127, %dma_start3A_130, %dma_start3A_133, %dma_start3A_134] : memref<8x2x16x1024xf32, #tpu.memory_space<vmem_shared>> -> memref<1x1x16x1024xf32, #tpu.memory_space<vmem_shared>>
      %dma_start3A_136 = tpu.memref_squeeze %dma_start3A_135 : memref<1x1x16x1024xf32, #tpu.memory_space<vmem_shared>> -> memref<16x1024xf32, #tpu.memory_space<vmem_shared>>
      tpu.enqueue_dma source(%dma_start3A_136 : memref<16x1024xf32, #tpu.memory_space<vmem_shared>>) target(%dma_start3A_132 : memref<16x1024xf32, #tpu.memory_space<hbm>>) target_semaphore(%arg9 : memref<!tpu.dma_semaphore, #tpu.memory_space<semaphore_mem>>)
      %dma_wait3A_137 = arith.constant 0 : i32
      %dma_wait3A_138 = arith.constant 0 : i32
      %dma_wait3A_139 = tpu.memref_slice %arg3[%add3A_129, %dma_wait3A_138] : memref<8192x1024xf32, #tpu.memory_space<hbm>> -> memref<16x1024xf32, #tpu.memory_space<hbm>>
      %dma_wait3A_140 = arith.constant 0 : i32
      %dma_wait3A_141 = arith.constant 0 : i32
      %dma_wait3A_142 = tpu.memref_slice %arg5[%select_n3A_127, %dma_wait3A_137, %dma_wait3A_140, %dma_wait3A_141] : memref<8x2x16x1024xf32, #tpu.memory_space<vmem_shared>> -> memref<1x1x16x1024xf32, #tpu.memory_space<vmem_shared>>
      %dma_wait3A_143 = tpu.memref_squeeze %dma_wait3A_142 : memref<1x1x16x1024xf32, #tpu.memory_space<vmem_shared>> -> memref<16x1024xf32, #tpu.memory_space<vmem_shared>>
      tpu.wait_dma2 semaphore(%arg9 : memref<!tpu.dma_semaphore, #tpu.memory_space<semaphore_mem>>) src(%dma_wait3A_143 : memref<16x1024xf32, #tpu.memory_space<vmem_shared>>) dst(%dma_wait3A_139 : memref<16x1024xf32, #tpu.memory_space<hbm>>)
      %add3A_144 = arith.constant 32 : i32
      %add3A_145 = arith.addi %mul3A_2, %add3A_144 : i32
      %jit3A_146 = arith.constant 2 : i32
      %div3A_147 = arith.divsi %arg1, %jit3A_146 : i32
      %sign3A_148 = arith.constant 0 : i32
      %sign3A_149 = arith.cmpi sgt, %arg1, %sign3A_148 : i32
      %sign3A_150 = arith.extui %sign3A_149 : i1 to i32
      %sign3A_151 = arith.constant 0 : i32
      %sign3A_152 = arith.cmpi slt, %arg1, %sign3A_151 : i32
      %sign3A_153 = arith.extui %sign3A_152 : i1 to i32
      %sign3A_154 = arith.subi %sign3A_150, %sign3A_153 : i32
      %sign3A_155 = arith.constant 0 : i32
      %sign3A_156 = arith.cmpi sgt, %jit3A_146, %sign3A_155 : i32
      %sign3A_157 = arith.extui %sign3A_156 : i1 to i32
      %sign3A_158 = arith.constant 0 : i32
      %sign3A_159 = arith.cmpi slt, %jit3A_146, %sign3A_158 : i32
      %sign3A_160 = arith.extui %sign3A_159 : i1 to i32
      %sign3A_161 = arith.subi %sign3A_157, %sign3A_160 : i32
      %ne3A_162 = arith.cmpi ne, %sign3A_154, %sign3A_161 : i32
      %rem3A_163 = arith.remsi %arg1, %jit3A_146 : i32
      %ne3A_164 = arith.constant 0 : i32
      %ne3A_165 = arith.cmpi ne, %rem3A_163, %ne3A_164 : i32
      %and3A_166 = arith.andi %ne3A_162, %ne3A_165 : i1
      %sub3A_167 = arith.constant 1 : i32
      %sub3A_168 = arith.subi %div3A_147, %sub3A_167 : i32
      %select_n3A_169 = arith.select %and3A_166, %sub3A_168, %div3A_147 : i32
      %dma_start3A_170 = arith.constant 0 : i32
      %dma_start3A_171 = arith.constant 0 : i32
      %dma_start3A_172 = arith.constant 0 : i32
      %dma_start3A_173 = tpu.memref_slice %arg5[%select_n3A_169, %dma_start3A_170, %dma_start3A_171, %dma_start3A_172] : memref<8x2x16x1024xf32, #tpu.memory_space<vmem_shared>> -> memref<1x1x16x1024xf32, #tpu.memory_space<vmem_shared>>
      %dma_start3A_174 = tpu.memref_squeeze %dma_start3A_173 : memref<1x1x16x1024xf32, #tpu.memory_space<vmem_shared>> -> memref<16x1024xf32, #tpu.memory_space<vmem_shared>>
      %dma_start3A_175 = arith.constant 0 : i32
      %dma_start3A_176 = tpu.memref_slice %arg2[%add3A_145, %dma_start3A_175] : memref<8192x1024xf32, #tpu.memory_space<hbm>> -> memref<16x1024xf32, #tpu.memory_space<hbm>>
      tpu.enqueue_dma source(%dma_start3A_176 : memref<16x1024xf32, #tpu.memory_space<hbm>>) target(%dma_start3A_174 : memref<16x1024xf32, #tpu.memory_space<vmem_shared>>) target_semaphore(%arg6 : memref<!tpu.dma_semaphore, #tpu.memory_space<semaphore_mem>>)
      %dma_wait3A_177 = arith.constant 1 : i32
      %dma_wait3A_178 = arith.constant 0 : i32
      %dma_wait3A_179 = arith.constant 0 : i32
      %dma_wait3A_180 = tpu.memref_slice %arg5[%select_n3A_90, %dma_wait3A_177, %dma_wait3A_178, %dma_wait3A_179] : memref<8x2x16x1024xf32, #tpu.memory_space<vmem_shared>> -> memref<1x1x16x1024xf32, #tpu.memory_space<vmem_shared>>
      %dma_wait3A_181 = tpu.memref_squeeze %dma_wait3A_180 : memref<1x1x16x1024xf32, #tpu.memory_space<vmem_shared>> -> memref<16x1024xf32, #tpu.memory_space<vmem_shared>>
      %dma_wait3A_182 = arith.constant 0 : i32
      %dma_wait3A_183 = tpu.memref_slice %arg2[%add3A_66, %dma_wait3A_182] : memref<8192x1024xf32, #tpu.memory_space<hbm>> -> memref<16x1024xf32, #tpu.memory_space<hbm>>
      tpu.wait_dma2 semaphore(%arg7 : memref<!tpu.dma_semaphore, #tpu.memory_space<semaphore_mem>>) src(%dma_wait3A_183 : memref<16x1024xf32, #tpu.memory_space<hbm>>) dst(%dma_wait3A_181 : memref<16x1024xf32, #tpu.memory_space<vmem_shared>>)
      %jit3A_184 = arith.constant 2 : i32
      %div3A_185 = arith.divsi %arg1, %jit3A_184 : i32
      %sign3A_186 = arith.constant 0 : i32
      %sign3A_187 = arith.cmpi sgt, %arg1, %sign3A_186 : i32
      %sign3A_188 = arith.extui %sign3A_187 : i1 to i32
      %sign3A_189 = arith.constant 0 : i32
      %sign3A_190 = arith.cmpi slt, %arg1, %sign3A_189 : i32
      %sign3A_191 = arith.extui %sign3A_190 : i1 to i32
      %sign3A_192 = arith.subi %sign3A_188, %sign3A_191 : i32
      %sign3A_193 = arith.constant 0 : i32
      %sign3A_194 = arith.cmpi sgt, %jit3A_184, %sign3A_193 : i32
      %sign3A_195 = arith.extui %sign3A_194 : i1 to i32
      %sign3A_196 = arith.constant 0 : i32
      %sign3A_197 = arith.cmpi slt, %jit3A_184, %sign3A_196 : i32
      %sign3A_198 = arith.extui %sign3A_197 : i1 to i32
      %sign3A_199 = arith.subi %sign3A_195, %sign3A_198 : i32
      %ne3A_200 = arith.cmpi ne, %sign3A_192, %sign3A_199 : i32
      %rem3A_201 = arith.remsi %arg1, %jit3A_184 : i32
      %ne3A_202 = arith.constant 0 : i32
      %ne3A_203 = arith.cmpi ne, %rem3A_201, %ne3A_202 : i32
      %and3A_204 = arith.andi %ne3A_200, %ne3A_203 : i1
      %sub3A_205 = arith.constant 1 : i32
      %sub3A_206 = arith.subi %div3A_185, %sub3A_205 : i32
      %select_n3A_207 = arith.select %and3A_204, %sub3A_206, %div3A_185 : i32
      %add3A_208 = arith.constant 16 : i32
      %add3A_209 = arith.addi %mul3A_2, %add3A_208 : i32
      %dma_start3A_210 = arith.constant 1 : i32
      %dma_start3A_211 = arith.constant 0 : i32
      %dma_start3A_212 = tpu.memref_slice %arg3[%add3A_209, %dma_start3A_211] : memref<8192x1024xf32, #tpu.memory_space<hbm>> -> memref<16x1024xf32, #tpu.memory_space<hbm>>
      %dma_start3A_213 = arith.constant 0 : i32
      %dma_start3A_214 = arith.constant 0 : i32
      %dma_start3A_215 = tpu.memref_slice %arg5[%select_n3A_207, %dma_start3A_210, %dma_start3A_213, %dma_start3A_214] : memref<8x2x16x1024xf32, #tpu.memory_space<vmem_shared>> -> memref<1x1x16x1024xf32, #tpu.memory_space<vmem_shared>>
      %dma_start3A_216 = tpu.memref_squeeze %dma_start3A_215 : memref<1x1x16x1024xf32, #tpu.memory_space<vmem_shared>> -> memref<16x1024xf32, #tpu.memory_space<vmem_shared>>
      tpu.enqueue_dma source(%dma_start3A_216 : memref<16x1024xf32, #tpu.memory_space<vmem_shared>>) target(%dma_start3A_212 : memref<16x1024xf32, #tpu.memory_space<hbm>>) target_semaphore(%arg10 : memref<!tpu.dma_semaphore, #tpu.memory_space<semaphore_mem>>)
      %dma_wait3A_217 = arith.constant 1 : i32
      %dma_wait3A_218 = arith.constant 0 : i32
      %dma_wait3A_219 = tpu.memref_slice %arg3[%add3A_209, %dma_wait3A_218] : memref<8192x1024xf32, #tpu.memory_space<hbm>> -> memref<16x1024xf32, #tpu.memory_space<hbm>>
      %dma_wait3A_220 = arith.constant 0 : i32
      %dma_wait3A_221 = arith.constant 0 : i32
      %dma_wait3A_222 = tpu.memref_slice %arg5[%select_n3A_207, %dma_wait3A_217, %dma_wait3A_220, %dma_wait3A_221] : memref<8x2x16x1024xf32, #tpu.memory_space<vmem_shared>> -> memref<1x1x16x1024xf32, #tpu.memory_space<vmem_shared>>
      %dma_wait3A_223 = tpu.memref_squeeze %dma_wait3A_222 : memref<1x1x16x1024xf32, #tpu.memory_space<vmem_shared>> -> memref<16x1024xf32, #tpu.memory_space<vmem_shared>>
      tpu.wait_dma2 semaphore(%arg10 : memref<!tpu.dma_semaphore, #tpu.memory_space<semaphore_mem>>) src(%dma_wait3A_223 : memref<16x1024xf32, #tpu.memory_space<vmem_shared>>) dst(%dma_wait3A_219 : memref<16x1024xf32, #tpu.memory_space<hbm>>)
      %add3A_224 = arith.constant 48 : i32
      %add3A_225 = arith.addi %mul3A_2, %add3A_224 : i32
      %jit3A_226 = arith.constant 2 : i32
      %div3A_227 = arith.divsi %arg1, %jit3A_226 : i32
      %sign3A_228 = arith.constant 0 : i32
      %sign3A_229 = arith.cmpi sgt, %arg1, %sign3A_228 : i32
      %sign3A_230 = arith.extui %sign3A_229 : i1 to i32
      %sign3A_231 = arith.constant 0 : i32
      %sign3A_232 = arith.cmpi slt, %arg1, %sign3A_231 : i32
      %sign3A_233 = arith.extui %sign3A_232 : i1 to i32
      %sign3A_234 = arith.subi %sign3A_230, %sign3A_233 : i32
      %sign3A_235 = arith.constant 0 : i32
      %sign3A_236 = arith.cmpi sgt, %jit3A_226, %sign3A_235 : i32
      %sign3A_237 = arith.extui %sign3A_236 : i1 to i32
      %sign3A_238 = arith.constant 0 : i32
      %sign3A_239 = arith.cmpi slt, %jit3A_226, %sign3A_238 : i32
      %sign3A_240 = arith.extui %sign3A_239 : i1 to i32
      %sign3A_241 = arith.subi %sign3A_237, %sign3A_240 : i32
      %ne3A_242 = arith.cmpi ne, %sign3A_234, %sign3A_241 : i32
      %rem3A_243 = arith.remsi %arg1, %jit3A_226 : i32
      %ne3A_244 = arith.constant 0 : i32
      %ne3A_245 = arith.cmpi ne, %rem3A_243, %ne3A_244 : i32
      %and3A_246 = arith.andi %ne3A_242, %ne3A_245 : i1
      %sub3A_247 = arith.constant 1 : i32
      %sub3A_248 = arith.subi %div3A_227, %sub3A_247 : i32
      %select_n3A_249 = arith.select %and3A_246, %sub3A_248, %div3A_227 : i32
      %dma_start3A_250 = arith.constant 1 : i32
      %dma_start3A_251 = arith.constant 0 : i32
      %dma_start3A_252 = arith.constant 0 : i32
      %dma_start3A_253 = tpu.memref_slice %arg5[%select_n3A_249, %dma_start3A_250, %dma_start3A_251, %dma_start3A_252] : memref<8x2x16x1024xf32, #tpu.memory_space<vmem_shared>> -> memref<1x1x16x1024xf32, #tpu.memory_space<vmem_shared>>
      %dma_start3A_254 = tpu.memref_squeeze %dma_start3A_253 : memref<1x1x16x1024xf32, #tpu.memory_space<vmem_shared>> -> memref<16x1024xf32, #tpu.memory_space<vmem_shared>>
      %dma_start3A_255 = arith.constant 0 : i32
      %dma_start3A_256 = tpu.memref_slice %arg2[%add3A_225, %dma_start3A_255] : memref<8192x1024xf32, #tpu.memory_space<hbm>> -> memref<16x1024xf32, #tpu.memory_space<hbm>>
      tpu.enqueue_dma source(%dma_start3A_256 : memref<16x1024xf32, #tpu.memory_space<hbm>>) target(%dma_start3A_254 : memref<16x1024xf32, #tpu.memory_space<vmem_shared>>) target_semaphore(%arg7 : memref<!tpu.dma_semaphore, #tpu.memory_space<semaphore_mem>>)
      %dma_wait3A_257 = arith.constant 0 : i32
      %dma_wait3A_258 = arith.constant 0 : i32
      %dma_wait3A_259 = arith.constant 0 : i32
      %dma_wait3A_260 = tpu.memref_slice %arg5[%select_n3A_169, %dma_wait3A_257, %dma_wait3A_258, %dma_wait3A_259] : memref<8x2x16x1024xf32, #tpu.memory_space<vmem_shared>> -> memref<1x1x16x1024xf32, #tpu.memory_space<vmem_shared>>
      %dma_wait3A_261 = tpu.memref_squeeze %dma_wait3A_260 : memref<1x1x16x1024xf32, #tpu.memory_space<vmem_shared>> -> memref<16x1024xf32, #tpu.memory_space<vmem_shared>>
      %dma_wait3A_262 = arith.constant 0 : i32
      %dma_wait3A_263 = tpu.memref_slice %arg2[%add3A_145, %dma_wait3A_262] : memref<8192x1024xf32, #tpu.memory_space<hbm>> -> memref<16x1024xf32, #tpu.memory_space<hbm>>
      tpu.wait_dma2 semaphore(%arg6 : memref<!tpu.dma_semaphore, #tpu.memory_space<semaphore_mem>>) src(%dma_wait3A_263 : memref<16x1024xf32, #tpu.memory_space<hbm>>) dst(%dma_wait3A_261 : memref<16x1024xf32, #tpu.memory_space<vmem_shared>>)
      %jit3A_264 = arith.constant 2 : i32
      %div3A_265 = arith.divsi %arg1, %jit3A_264 : i32
      %sign3A_266 = arith.constant 0 : i32
      %sign3A_267 = arith.cmpi sgt, %arg1, %sign3A_266 : i32
      %sign3A_268 = arith.extui %sign3A_267 : i1 to i32
      %sign3A_269 = arith.constant 0 : i32
      %sign3A_270 = arith.cmpi slt, %arg1, %sign3A_269 : i32
      %sign3A_271 = arith.extui %sign3A_270 : i1 to i32
      %sign3A_272 = arith.subi %sign3A_268, %sign3A_271 : i32
      %sign3A_273 = arith.constant 0 : i32
      %sign3A_274 = arith.cmpi sgt, %jit3A_264, %sign3A_273 : i32
      %sign3A_275 = arith.extui %sign3A_274 : i1 to i32
      %sign3A_276 = arith.constant 0 : i32
      %sign3A_277 = arith.cmpi slt, %jit3A_264, %sign3A_276 : i32
      %sign3A_278 = arith.extui %sign3A_277 : i1 to i32
      %sign3A_279 = arith.subi %sign3A_275, %sign3A_278 : i32
      %ne3A_280 = arith.cmpi ne, %sign3A_272, %sign3A_279 : i32
      %rem3A_281 = arith.remsi %arg1, %jit3A_264 : i32
      %ne3A_282 = arith.constant 0 : i32
      %ne3A_283 = arith.cmpi ne, %rem3A_281, %ne3A_282 : i32
      %and3A_284 = arith.andi %ne3A_280, %ne3A_283 : i1
      %sub3A_285 = arith.constant 1 : i32
      %sub3A_286 = arith.subi %div3A_265, %sub3A_285 : i32
      %select_n3A_287 = arith.select %and3A_284, %sub3A_286, %div3A_265 : i32
      %add3A_288 = arith.constant 32 : i32
      %add3A_289 = arith.addi %mul3A_2, %add3A_288 : i32
      %dma_start3A_290 = arith.constant 0 : i32
      %dma_start3A_291 = arith.constant 0 : i32
      %dma_start3A_292 = tpu.memref_slice %arg3[%add3A_289, %dma_start3A_291] : memref<8192x1024xf32, #tpu.memory_space<hbm>> -> memref<16x1024xf32, #tpu.memory_space<hbm>>
      %dma_start3A_293 = arith.constant 0 : i32
      %dma_start3A_294 = arith.constant 0 : i32
      %dma_start3A_295 = tpu.memref_slice %arg5[%select_n3A_287, %dma_start3A_290, %dma_start3A_293, %dma_start3A_294] : memref<8x2x16x1024xf32, #tpu.memory_space<vmem_shared>> -> memref<1x1x16x1024xf32, #tpu.memory_space<vmem_shared>>
      %dma_start3A_296 = tpu.memref_squeeze %dma_start3A_295 : memref<1x1x16x1024xf32, #tpu.memory_space<vmem_shared>> -> memref<16x1024xf32, #tpu.memory_space<vmem_shared>>
      tpu.enqueue_dma source(%dma_start3A_296 : memref<16x1024xf32, #tpu.memory_space<vmem_shared>>) target(%dma_start3A_292 : memref<16x1024xf32, #tpu.memory_space<hbm>>) target_semaphore(%arg9 : memref<!tpu.dma_semaphore, #tpu.memory_space<semaphore_mem>>)
      %dma_wait3A_297 = arith.constant 0 : i32
      %dma_wait3A_298 = arith.constant 0 : i32
      %dma_wait3A_299 = tpu.memref_slice %arg3[%add3A_289, %dma_wait3A_298] : memref<8192x1024xf32, #tpu.memory_space<hbm>> -> memref<16x1024xf32, #tpu.memory_space<hbm>>
      %dma_wait3A_300 = arith.constant 0 : i32
      %dma_wait3A_301 = arith.constant 0 : i32
      %dma_wait3A_302 = tpu.memref_slice %arg5[%select_n3A_287, %dma_wait3A_297, %dma_wait3A_300, %dma_wait3A_301] : memref<8x2x16x1024xf32, #tpu.memory_space<vmem_shared>> -> memref<1x1x16x1024xf32, #tpu.memory_space<vmem_shared>>
      %dma_wait3A_303 = tpu.memref_squeeze %dma_wait3A_302 : memref<1x1x16x1024xf32, #tpu.memory_space<vmem_shared>> -> memref<16x1024xf32, #tpu.memory_space<vmem_shared>>
      tpu.wait_dma2 semaphore(%arg9 : memref<!tpu.dma_semaphore, #tpu.memory_space<semaphore_mem>>) src(%dma_wait3A_303 : memref<16x1024xf32, #tpu.memory_space<vmem_shared>>) dst(%dma_wait3A_299 : memref<16x1024xf32, #tpu.memory_space<hbm>>)
      %add3A_304 = arith.constant 64 : i32
      %add3A_305 = arith.addi %mul3A_2, %add3A_304 : i32
      %jit3A_306 = arith.constant 2 : i32
      %div3A_307 = arith.divsi %arg1, %jit3A_306 : i32
      %sign3A_308 = arith.constant 0 : i32
      %sign3A_309 = arith.cmpi sgt, %arg1, %sign3A_308 : i32
      %sign3A_310 = arith.extui %sign3A_309 : i1 to i32
      %sign3A_311 = arith.constant 0 : i32
      %sign3A_312 = arith.cmpi slt, %arg1, %sign3A_311 : i32
      %sign3A_313 = arith.extui %sign3A_312 : i1 to i32
      %sign3A_314 = arith.subi %sign3A_310, %sign3A_313 : i32
      %sign3A_315 = arith.constant 0 : i32
      %sign3A_316 = arith.cmpi sgt, %jit3A_306, %sign3A_315 : i32
      %sign3A_317 = arith.extui %sign3A_316 : i1 to i32
      %sign3A_318 = arith.constant 0 : i32
      %sign3A_319 = arith.cmpi slt, %jit3A_306, %sign3A_318 : i32
      %sign3A_320 = arith.extui %sign3A_319 : i1 to i32
      %sign3A_321 = arith.subi %sign3A_317, %sign3A_320 : i32
      %ne3A_322 = arith.cmpi ne, %sign3A_314, %sign3A_321 : i32
      %rem3A_323 = arith.remsi %arg1, %jit3A_306 : i32
      %ne3A_324 = arith.constant 0 : i32
      %ne3A_325 = arith.cmpi ne, %rem3A_323, %ne3A_324 : i32
      %and3A_326 = arith.andi %ne3A_322, %ne3A_325 : i1
      %sub3A_327 = arith.constant 1 : i32
      %sub3A_328 = arith.subi %div3A_307, %sub3A_327 : i32
      %select_n3A_329 = arith.select %and3A_326, %sub3A_328, %div3A_307 : i32
      %dma_start3A_330 = arith.constant 0 : i32
      %dma_start3A_331 = arith.constant 0 : i32
      %dma_start3A_332 = arith.constant 0 : i32
      %dma_start3A_333 = tpu.memref_slice %arg5[%select_n3A_329, %dma_start3A_330, %dma_start3A_331, %dma_start3A_332] : memref<8x2x16x1024xf32, #tpu.memory_space<vmem_shared>> -> memref<1x1x16x1024xf32, #tpu.memory_space<vmem_shared>>
      %dma_start3A_334 = tpu.memref_squeeze %dma_start3A_333 : memref<1x1x16x1024xf32, #tpu.memory_space<vmem_shared>> -> memref<16x1024xf32, #tpu.memory_space<vmem_shared>>
      %dma_start3A_335 = arith.constant 0 : i32
      %dma_start3A_336 = tpu.memref_slice %arg2[%add3A_305, %dma_start3A_335] : memref<8192x1024xf32, #tpu.memory_space<hbm>> -> memref<16x1024xf32, #tpu.memory_space<hbm>>
      tpu.enqueue_dma source(%dma_start3A_336 : memref<16x1024xf32, #tpu.memory_space<hbm>>) target(%dma_start3A_334 : memref<16x1024xf32, #tpu.memory_space<vmem_shared>>) target_semaphore(%arg6 : memref<!tpu.dma_semaphore, #tpu.memory_space<semaphore_mem>>)
      %dma_wait3A_337 = arith.constant 1 : i32
      %dma_wait3A_338 = arith.constant 0 : i32
      %dma_wait3A_339 = arith.constant 0 : i32
      %dma_wait3A_340 = tpu.memref_slice %arg5[%select_n3A_249, %dma_wait3A_337, %dma_wait3A_338, %dma_wait3A_339] : memref<8x2x16x1024xf32, #tpu.memory_space<vmem_shared>> -> memref<1x1x16x1024xf32, #tpu.memory_space<vmem_shared>>
      %dma_wait3A_341 = tpu.memref_squeeze %dma_wait3A_340 : memref<1x1x16x1024xf32, #tpu.memory_space<vmem_shared>> -> memref<16x1024xf32, #tpu.memory_space<vmem_shared>>
      %dma_wait3A_342 = arith.constant 0 : i32
      %dma_wait3A_343 = tpu.memref_slice %arg2[%add3A_225, %dma_wait3A_342] : memref<8192x1024xf32, #tpu.memory_space<hbm>> -> memref<16x1024xf32, #tpu.memory_space<hbm>>
      tpu.wait_dma2 semaphore(%arg7 : memref<!tpu.dma_semaphore, #tpu.memory_space<semaphore_mem>>) src(%dma_wait3A_343 : memref<16x1024xf32, #tpu.memory_space<hbm>>) dst(%dma_wait3A_341 : memref<16x1024xf32, #tpu.memory_space<vmem_shared>>)
      %jit3A_344 = arith.constant 2 : i32
      %div3A_345 = arith.divsi %arg1, %jit3A_344 : i32
      %sign3A_346 = arith.constant 0 : i32
      %sign3A_347 = arith.cmpi sgt, %arg1, %sign3A_346 : i32
      %sign3A_348 = arith.extui %sign3A_347 : i1 to i32
      %sign3A_349 = arith.constant 0 : i32
      %sign3A_350 = arith.cmpi slt, %arg1, %sign3A_349 : i32
      %sign3A_351 = arith.extui %sign3A_350 : i1 to i32
      %sign3A_352 = arith.subi %sign3A_348, %sign3A_351 : i32
      %sign3A_353 = arith.constant 0 : i32
      %sign3A_354 = arith.cmpi sgt, %jit3A_344, %sign3A_353 : i32
      %sign3A_355 = arith.extui %sign3A_354 : i1 to i32
      %sign3A_356 = arith.constant 0 : i32
      %sign3A_357 = arith.cmpi slt, %jit3A_344, %sign3A_356 : i32
      %sign3A_358 = arith.extui %sign3A_357 : i1 to i32
      %sign3A_359 = arith.subi %sign3A_355, %sign3A_358 : i32
      %ne3A_360 = arith.cmpi ne, %sign3A_352, %sign3A_359 : i32
      %rem3A_361 = arith.remsi %arg1, %jit3A_344 : i32
      %ne3A_362 = arith.constant 0 : i32
      %ne3A_363 = arith.cmpi ne, %rem3A_361, %ne3A_362 : i32
      %and3A_364 = arith.andi %ne3A_360, %ne3A_363 : i1
      %sub3A_365 = arith.constant 1 : i32
      %sub3A_366 = arith.subi %div3A_345, %sub3A_365 : i32
      %select_n3A_367 = arith.select %and3A_364, %sub3A_366, %div3A_345 : i32
      %add3A_368 = arith.constant 48 : i32
      %add3A_369 = arith.addi %mul3A_2, %add3A_368 : i32
      %dma_start3A_370 = arith.constant 1 : i32
      %dma_start3A_371 = arith.constant 0 : i32
      %dma_start3A_372 = tpu.memref_slice %arg3[%add3A_369, %dma_start3A_371] : memref<8192x1024xf32, #tpu.memory_space<hbm>> -> memref<16x1024xf32, #tpu.memory_space<hbm>>
      %dma_start3A_373 = arith.constant 0 : i32
      %dma_start3A_374 = arith.constant 0 : i32
      %dma_start3A_375 = tpu.memref_slice %arg5[%select_n3A_367, %dma_start3A_370, %dma_start3A_373, %dma_start3A_374] : memref<8x2x16x1024xf32, #tpu.memory_space<vmem_shared>> -> memref<1x1x16x1024xf32, #tpu.memory_space<vmem_shared>>
      %dma_start3A_376 = tpu.memref_squeeze %dma_start3A_375 : memref<1x1x16x1024xf32, #tpu.memory_space<vmem_shared>> -> memref<16x1024xf32, #tpu.memory_space<vmem_shared>>
      tpu.enqueue_dma source(%dma_start3A_376 : memref<16x1024xf32, #tpu.memory_space<vmem_shared>>) target(%dma_start3A_372 : memref<16x1024xf32, #tpu.memory_space<hbm>>) target_semaphore(%arg10 : memref<!tpu.dma_semaphore, #tpu.memory_space<semaphore_mem>>)
      %dma_wait3A_377 = arith.constant 1 : i32
      %dma_wait3A_378 = arith.constant 0 : i32
      %dma_wait3A_379 = tpu.memref_slice %arg3[%add3A_369, %dma_wait3A_378] : memref<8192x1024xf32, #tpu.memory_space<hbm>> -> memref<16x1024xf32, #tpu.memory_space<hbm>>
      %dma_wait3A_380 = arith.constant 0 : i32
      %dma_wait3A_381 = arith.constant 0 : i32
      %dma_wait3A_382 = tpu.memref_slice %arg5[%select_n3A_367, %dma_wait3A_377, %dma_wait3A_380, %dma_wait3A_381] : memref<8x2x16x1024xf32, #tpu.memory_space<vmem_shared>> -> memref<1x1x16x1024xf32, #tpu.memory_space<vmem_shared>>
      %dma_wait3A_383 = tpu.memref_squeeze %dma_wait3A_382 : memref<1x1x16x1024xf32, #tpu.memory_space<vmem_shared>> -> memref<16x1024xf32, #tpu.memory_space<vmem_shared>>
      tpu.wait_dma2 semaphore(%arg10 : memref<!tpu.dma_semaphore, #tpu.memory_space<semaphore_mem>>) src(%dma_wait3A_383 : memref<16x1024xf32, #tpu.memory_space<vmem_shared>>) dst(%dma_wait3A_379 : memref<16x1024xf32, #tpu.memory_space<hbm>>)
      %add3A_384 = arith.constant 80 : i32
      %add3A_385 = arith.addi %mul3A_2, %add3A_384 : i32
      %jit3A_386 = arith.constant 2 : i32
      %div3A_387 = arith.divsi %arg1, %jit3A_386 : i32
      %sign3A_388 = arith.constant 0 : i32
      %sign3A_389 = arith.cmpi sgt, %arg1, %sign3A_388 : i32
      %sign3A_390 = arith.extui %sign3A_389 : i1 to i32
      %sign3A_391 = arith.constant 0 : i32
      %sign3A_392 = arith.cmpi slt, %arg1, %sign3A_391 : i32
      %sign3A_393 = arith.extui %sign3A_392 : i1 to i32
      %sign3A_394 = arith.subi %sign3A_390, %sign3A_393 : i32
      %sign3A_395 = arith.constant 0 : i32
      %sign3A_396 = arith.cmpi sgt, %jit3A_386, %sign3A_395 : i32
      %sign3A_397 = arith.extui %sign3A_396 : i1 to i32
      %sign3A_398 = arith.constant 0 : i32
      %sign3A_399 = arith.cmpi slt, %jit3A_386, %sign3A_398 : i32
      %sign3A_400 = arith.extui %sign3A_399 : i1 to i32
      %sign3A_401 = arith.subi %sign3A_397, %sign3A_400 : i32
      %ne3A_402 = arith.cmpi ne, %sign3A_394, %sign3A_401 : i32
      %rem3A_403 = arith.remsi %arg1, %jit3A_386 : i32
      %ne3A_404 = arith.constant 0 : i32
      %ne3A_405 = arith.cmpi ne, %rem3A_403, %ne3A_404 : i32
      %and3A_406 = arith.andi %ne3A_402, %ne3A_405 : i1
      %sub3A_407 = arith.constant 1 : i32
      %sub3A_408 = arith.subi %div3A_387, %sub3A_407 : i32
      %select_n3A_409 = arith.select %and3A_406, %sub3A_408, %div3A_387 : i32
      %dma_start3A_410 = arith.constant 1 : i32
      %dma_start3A_411 = arith.constant 0 : i32
      %dma_start3A_412 = arith.constant 0 : i32
      %dma_start3A_413 = tpu.memref_slice %arg5[%select_n3A_409, %dma_start3A_410, %dma_start3A_411, %dma_start3A_412] : memref<8x2x16x1024xf32, #tpu.memory_space<vmem_shared>> -> memref<1x1x16x1024xf32, #tpu.memory_space<vmem_shared>>
      %dma_start3A_414 = tpu.memref_squeeze %dma_start3A_413 : memref<1x1x16x1024xf32, #tpu.memory_space<vmem_shared>> -> memref<16x1024xf32, #tpu.memory_space<vmem_shared>>
      %dma_start3A_415 = arith.constant 0 : i32
      %dma_start3A_416 = tpu.memref_slice %arg2[%add3A_385, %dma_start3A_415] : memref<8192x1024xf32, #tpu.memory_space<hbm>> -> memref<16x1024xf32, #tpu.memory_space<hbm>>
      tpu.enqueue_dma source(%dma_start3A_416 : memref<16x1024xf32, #tpu.memory_space<hbm>>) target(%dma_start3A_414 : memref<16x1024xf32, #tpu.memory_space<vmem_shared>>) target_semaphore(%arg7 : memref<!tpu.dma_semaphore, #tpu.memory_space<semaphore_mem>>)
      %dma_wait3A_417 = arith.constant 0 : i32
      %dma_wait3A_418 = arith.constant 0 : i32
      %dma_wait3A_419 = arith.constant 0 : i32
      %dma_wait3A_420 = tpu.memref_slice %arg5[%select_n3A_329, %dma_wait3A_417, %dma_wait3A_418, %dma_wait3A_419] : memref<8x2x16x1024xf32, #tpu.memory_space<vmem_shared>> -> memref<1x1x16x1024xf32, #tpu.memory_space<vmem_shared>>
      %dma_wait3A_421 = tpu.memref_squeeze %dma_wait3A_420 : memref<1x1x16x1024xf32, #tpu.memory_space<vmem_shared>> -> memref<16x1024xf32, #tpu.memory_space<vmem_shared>>
      %dma_wait3A_422 = arith.constant 0 : i32
      %dma_wait3A_423 = tpu.memref_slice %arg2[%add3A_305, %dma_wait3A_422] : memref<8192x1024xf32, #tpu.memory_space<hbm>> -> memref<16x1024xf32, #tpu.memory_space<hbm>>
      tpu.wait_dma2 semaphore(%arg6 : memref<!tpu.dma_semaphore, #tpu.memory_space<semaphore_mem>>) src(%dma_wait3A_423 : memref<16x1024xf32, #tpu.memory_space<hbm>>) dst(%dma_wait3A_421 : memref<16x1024xf32, #tpu.memory_space<vmem_shared>>)
      %jit3A_424 = arith.constant 2 : i32
      %div3A_425 = arith.divsi %arg1, %jit3A_424 : i32
      %sign3A_426 = arith.constant 0 : i32
      %sign3A_427 = arith.cmpi sgt, %arg1, %sign3A_426 : i32
      %sign3A_428 = arith.extui %sign3A_427 : i1 to i32
      %sign3A_429 = arith.constant 0 : i32
      %sign3A_430 = arith.cmpi slt, %arg1, %sign3A_429 : i32
      %sign3A_431 = arith.extui %sign3A_430 : i1 to i32
      %sign3A_432 = arith.subi %sign3A_428, %sign3A_431 : i32
      %sign3A_433 = arith.constant 0 : i32
      %sign3A_434 = arith.cmpi sgt, %jit3A_424, %sign3A_433 : i32
      %sign3A_435 = arith.extui %sign3A_434 : i1 to i32
      %sign3A_436 = arith.constant 0 : i32
      %sign3A_437 = arith.cmpi slt, %jit3A_424, %sign3A_436 : i32
      %sign3A_438 = arith.extui %sign3A_437 : i1 to i32
      %sign3A_439 = arith.subi %sign3A_435, %sign3A_438 : i32
      %ne3A_440 = arith.cmpi ne, %sign3A_432, %sign3A_439 : i32
      %rem3A_441 = arith.remsi %arg1, %jit3A_424 : i32
      %ne3A_442 = arith.constant 0 : i32
      %ne3A_443 = arith.cmpi ne, %rem3A_441, %ne3A_442 : i32
      %and3A_444 = arith.andi %ne3A_440, %ne3A_443 : i1
      %sub3A_445 = arith.constant 1 : i32
      %sub3A_446 = arith.subi %div3A_425, %sub3A_445 : i32
      %select_n3A_447 = arith.select %and3A_444, %sub3A_446, %div3A_425 : i32
      %add3A_448 = arith.constant 64 : i32
      %add3A_449 = arith.addi %mul3A_2, %add3A_448 : i32
      %dma_start3A_450 = arith.constant 0 : i32
      %dma_start3A_451 = arith.constant 0 : i32
      %dma_start3A_452 = tpu.memref_slice %arg3[%add3A_449, %dma_start3A_451] : memref<8192x1024xf32, #tpu.memory_space<hbm>> -> memref<16x1024xf32, #tpu.memory_space<hbm>>
      %dma_start3A_453 = arith.constant 0 : i32
      %dma_start3A_454 = arith.constant 0 : i32
      %dma_start3A_455 = tpu.memref_slice %arg5[%select_n3A_447, %dma_start3A_450, %dma_start3A_453, %dma_start3A_454] : memref<8x2x16x1024xf32, #tpu.memory_space<vmem_shared>> -> memref<1x1x16x1024xf32, #tpu.memory_space<vmem_shared>>
      %dma_start3A_456 = tpu.memref_squeeze %dma_start3A_455 : memref<1x1x16x1024xf32, #tpu.memory_space<vmem_shared>> -> memref<16x1024xf32, #tpu.memory_space<vmem_shared>>
      tpu.enqueue_dma source(%dma_start3A_456 : memref<16x1024xf32, #tpu.memory_space<vmem_shared>>) target(%dma_start3A_452 : memref<16x1024xf32, #tpu.memory_space<hbm>>) target_semaphore(%arg9 : memref<!tpu.dma_semaphore, #tpu.memory_space<semaphore_mem>>)
      %dma_wait3A_457 = arith.constant 0 : i32
      %dma_wait3A_458 = arith.constant 0 : i32
      %dma_wait3A_459 = tpu.memref_slice %arg3[%add3A_449, %dma_wait3A_458] : memref<8192x1024xf32, #tpu.memory_space<hbm>> -> memref<16x1024xf32, #tpu.memory_space<hbm>>
      %dma_wait3A_460 = arith.constant 0 : i32
      %dma_wait3A_461 = arith.constant 0 : i32
      %dma_wait3A_462 = tpu.memref_slice %arg5[%select_n3A_447, %dma_wait3A_457, %dma_wait3A_460, %dma_wait3A_461] : memref<8x2x16x1024xf32, #tpu.memory_space<vmem_shared>> -> memref<1x1x16x1024xf32, #tpu.memory_space<vmem_shared>>
      %dma_wait3A_463 = tpu.memref_squeeze %dma_wait3A_462 : memref<1x1x16x1024xf32, #tpu.memory_space<vmem_shared>> -> memref<16x1024xf32, #tpu.memory_space<vmem_shared>>
      tpu.wait_dma2 semaphore(%arg9 : memref<!tpu.dma_semaphore, #tpu.memory_space<semaphore_mem>>) src(%dma_wait3A_463 : memref<16x1024xf32, #tpu.memory_space<vmem_shared>>) dst(%dma_wait3A_459 : memref<16x1024xf32, #tpu.memory_space<hbm>>)
      %add3A_464 = arith.constant 96 : i32
      %add3A_465 = arith.addi %mul3A_2, %add3A_464 : i32
      %jit3A_466 = arith.constant 2 : i32
      %div3A_467 = arith.divsi %arg1, %jit3A_466 : i32
      %sign3A_468 = arith.constant 0 : i32
      %sign3A_469 = arith.cmpi sgt, %arg1, %sign3A_468 : i32
      %sign3A_470 = arith.extui %sign3A_469 : i1 to i32
      %sign3A_471 = arith.constant 0 : i32
      %sign3A_472 = arith.cmpi slt, %arg1, %sign3A_471 : i32
      %sign3A_473 = arith.extui %sign3A_472 : i1 to i32
      %sign3A_474 = arith.subi %sign3A_470, %sign3A_473 : i32
      %sign3A_475 = arith.constant 0 : i32
      %sign3A_476 = arith.cmpi sgt, %jit3A_466, %sign3A_475 : i32
      %sign3A_477 = arith.extui %sign3A_476 : i1 to i32
      %sign3A_478 = arith.constant 0 : i32
      %sign3A_479 = arith.cmpi slt, %jit3A_466, %sign3A_478 : i32
      %sign3A_480 = arith.extui %sign3A_479 : i1 to i32
      %sign3A_481 = arith.subi %sign3A_477, %sign3A_480 : i32
      %ne3A_482 = arith.cmpi ne, %sign3A_474, %sign3A_481 : i32
      %rem3A_483 = arith.remsi %arg1, %jit3A_466 : i32
      %ne3A_484 = arith.constant 0 : i32
      %ne3A_485 = arith.cmpi ne, %rem3A_483, %ne3A_484 : i32
      %and3A_486 = arith.andi %ne3A_482, %ne3A_485 : i1
      %sub3A_487 = arith.constant 1 : i32
      %sub3A_488 = arith.subi %div3A_467, %sub3A_487 : i32
      %select_n3A_489 = arith.select %and3A_486, %sub3A_488, %div3A_467 : i32
      %dma_start3A_490 = arith.constant 0 : i32
      %dma_start3A_491 = arith.constant 0 : i32
      %dma_start3A_492 = arith.constant 0 : i32
      %dma_start3A_493 = tpu.memref_slice %arg5[%select_n3A_489, %dma_start3A_490, %dma_start3A_491, %dma_start3A_492] : memref<8x2x16x1024xf32, #tpu.memory_space<vmem_shared>> -> memref<1x1x16x1024xf32, #tpu.memory_space<vmem_shared>>
      %dma_start3A_494 = tpu.memref_squeeze %dma_start3A_493 : memref<1x1x16x1024xf32, #tpu.memory_space<vmem_shared>> -> memref<16x1024xf32, #tpu.memory_space<vmem_shared>>
      %dma_start3A_495 = arith.constant 0 : i32
      %dma_start3A_496 = tpu.memref_slice %arg2[%add3A_465, %dma_start3A_495] : memref<8192x1024xf32, #tpu.memory_space<hbm>> -> memref<16x1024xf32, #tpu.memory_space<hbm>>
      tpu.enqueue_dma source(%dma_start3A_496 : memref<16x1024xf32, #tpu.memory_space<hbm>>) target(%dma_start3A_494 : memref<16x1024xf32, #tpu.memory_space<vmem_shared>>) target_semaphore(%arg6 : memref<!tpu.dma_semaphore, #tpu.memory_space<semaphore_mem>>)
      %dma_wait3A_497 = arith.constant 1 : i32
      %dma_wait3A_498 = arith.constant 0 : i32
      %dma_wait3A_499 = arith.constant 0 : i32
      %dma_wait3A_500 = tpu.memref_slice %arg5[%select_n3A_409, %dma_wait3A_497, %dma_wait3A_498, %dma_wait3A_499] : memref<8x2x16x1024xf32, #tpu.memory_space<vmem_shared>> -> memref<1x1x16x1024xf32, #tpu.memory_space<vmem_shared>>
      %dma_wait3A_501 = tpu.memref_squeeze %dma_wait3A_500 : memref<1x1x16x1024xf32, #tpu.memory_space<vmem_shared>> -> memref<16x1024xf32, #tpu.memory_space<vmem_shared>>
      %dma_wait3A_502 = arith.constant 0 : i32
      %dma_wait3A_503 = tpu.memref_slice %arg2[%add3A_385, %dma_wait3A_502] : memref<8192x1024xf32, #tpu.memory_space<hbm>> -> memref<16x1024xf32, #tpu.memory_space<hbm>>
      tpu.wait_dma2 semaphore(%arg7 : memref<!tpu.dma_semaphore, #tpu.memory_space<semaphore_mem>>) src(%dma_wait3A_503 : memref<16x1024xf32, #tpu.memory_space<hbm>>) dst(%dma_wait3A_501 : memref<16x1024xf32, #tpu.memory_space<vmem_shared>>)
      %jit3A_504 = arith.constant 2 : i32
      %div3A_505 = arith.divsi %arg1, %jit3A_504 : i32
      %sign3A_506 = arith.constant 0 : i32
      %sign3A_507 = arith.cmpi sgt, %arg1, %sign3A_506 : i32
      %sign3A_508 = arith.extui %sign3A_507 : i1 to i32
      %sign3A_509 = arith.constant 0 : i32
      %sign3A_510 = arith.cmpi slt, %arg1, %sign3A_509 : i32
      %sign3A_511 = arith.extui %sign3A_510 : i1 to i32
      %sign3A_512 = arith.subi %sign3A_508, %sign3A_511 : i32
      %sign3A_513 = arith.constant 0 : i32
      %sign3A_514 = arith.cmpi sgt, %jit3A_504, %sign3A_513 : i32
      %sign3A_515 = arith.extui %sign3A_514 : i1 to i32
      %sign3A_516 = arith.constant 0 : i32
      %sign3A_517 = arith.cmpi slt, %jit3A_504, %sign3A_516 : i32
      %sign3A_518 = arith.extui %sign3A_517 : i1 to i32
      %sign3A_519 = arith.subi %sign3A_515, %sign3A_518 : i32
      %ne3A_520 = arith.cmpi ne, %sign3A_512, %sign3A_519 : i32
      %rem3A_521 = arith.remsi %arg1, %jit3A_504 : i32
      %ne3A_522 = arith.constant 0 : i32
      %ne3A_523 = arith.cmpi ne, %rem3A_521, %ne3A_522 : i32
      %and3A_524 = arith.andi %ne3A_520, %ne3A_523 : i1
      %sub3A_525 = arith.constant 1 : i32
      %sub3A_526 = arith.subi %div3A_505, %sub3A_525 : i32
      %select_n3A_527 = arith.select %and3A_524, %sub3A_526, %div3A_505 : i32
      %add3A_528 = arith.constant 80 : i32
      %add3A_529 = arith.addi %mul3A_2, %add3A_528 : i32
      %dma_start3A_530 = arith.constant 1 : i32
      %dma_start3A_531 = arith.constant 0 : i32
      %dma_start3A_532 = tpu.memref_slice %arg3[%add3A_529, %dma_start3A_531] : memref<8192x1024xf32, #tpu.memory_space<hbm>> -> memref<16x1024xf32, #tpu.memory_space<hbm>>
      %dma_start3A_533 = arith.constant 0 : i32
      %dma_start3A_534 = arith.constant 0 : i32
      %dma_start3A_535 = tpu.memref_slice %arg5[%select_n3A_527, %dma_start3A_530, %dma_start3A_533, %dma_start3A_534] : memref<8x2x16x1024xf32, #tpu.memory_space<vmem_shared>> -> memref<1x1x16x1024xf32, #tpu.memory_space<vmem_shared>>
      %dma_start3A_536 = tpu.memref_squeeze %dma_start3A_535 : memref<1x1x16x1024xf32, #tpu.memory_space<vmem_shared>> -> memref<16x1024xf32, #tpu.memory_space<vmem_shared>>
      tpu.enqueue_dma source(%dma_start3A_536 : memref<16x1024xf32, #tpu.memory_space<vmem_shared>>) target(%dma_start3A_532 : memref<16x1024xf32, #tpu.memory_space<hbm>>) target_semaphore(%arg10 : memref<!tpu.dma_semaphore, #tpu.memory_space<semaphore_mem>>)
      %dma_wait3A_537 = arith.constant 1 : i32
      %dma_wait3A_538 = arith.constant 0 : i32
      %dma_wait3A_539 = tpu.memref_slice %arg3[%add3A_529, %dma_wait3A_538] : memref<8192x1024xf32, #tpu.memory_space<hbm>> -> memref<16x1024xf32, #tpu.memory_space<hbm>>
      %dma_wait3A_540 = arith.constant 0 : i32
      %dma_wait3A_541 = arith.constant 0 : i32
      %dma_wait3A_542 = tpu.memref_slice %arg5[%select_n3A_527, %dma_wait3A_537, %dma_wait3A_540, %dma_wait3A_541] : memref<8x2x16x1024xf32, #tpu.memory_space<vmem_shared>> -> memref<1x1x16x1024xf32, #tpu.memory_space<vmem_shared>>
      %dma_wait3A_543 = tpu.memref_squeeze %dma_wait3A_542 : memref<1x1x16x1024xf32, #tpu.memory_space<vmem_shared>> -> memref<16x1024xf32, #tpu.memory_space<vmem_shared>>
      tpu.wait_dma2 semaphore(%arg10 : memref<!tpu.dma_semaphore, #tpu.memory_space<semaphore_mem>>) src(%dma_wait3A_543 : memref<16x1024xf32, #tpu.memory_space<vmem_shared>>) dst(%dma_wait3A_539 : memref<16x1024xf32, #tpu.memory_space<hbm>>)
      %add3A_544 = arith.constant 112 : i32
      %add3A_545 = arith.addi %mul3A_2, %add3A_544 : i32
      %jit3A_546 = arith.constant 2 : i32
      %div3A_547 = arith.divsi %arg1, %jit3A_546 : i32
      %sign3A_548 = arith.constant 0 : i32
      %sign3A_549 = arith.cmpi sgt, %arg1, %sign3A_548 : i32
      %sign3A_550 = arith.extui %sign3A_549 : i1 to i32
      %sign3A_551 = arith.constant 0 : i32
      %sign3A_552 = arith.cmpi slt, %arg1, %sign3A_551 : i32
      %sign3A_553 = arith.extui %sign3A_552 : i1 to i32
      %sign3A_554 = arith.subi %sign3A_550, %sign3A_553 : i32
      %sign3A_555 = arith.constant 0 : i32
      %sign3A_556 = arith.cmpi sgt, %jit3A_546, %sign3A_555 : i32
      %sign3A_557 = arith.extui %sign3A_556 : i1 to i32
      %sign3A_558 = arith.constant 0 : i32
      %sign3A_559 = arith.cmpi slt, %jit3A_546, %sign3A_558 : i32
      %sign3A_560 = arith.extui %sign3A_559 : i1 to i32
      %sign3A_561 = arith.subi %sign3A_557, %sign3A_560 : i32
      %ne3A_562 = arith.cmpi ne, %sign3A_554, %sign3A_561 : i32
      %rem3A_563 = arith.remsi %arg1, %jit3A_546 : i32
      %ne3A_564 = arith.constant 0 : i32
      %ne3A_565 = arith.cmpi ne, %rem3A_563, %ne3A_564 : i32
      %and3A_566 = arith.andi %ne3A_562, %ne3A_565 : i1
      %sub3A_567 = arith.constant 1 : i32
      %sub3A_568 = arith.subi %div3A_547, %sub3A_567 : i32
      %select_n3A_569 = arith.select %and3A_566, %sub3A_568, %div3A_547 : i32
      %dma_start3A_570 = arith.constant 1 : i32
      %dma_start3A_571 = arith.constant 0 : i32
      %dma_start3A_572 = arith.constant 0 : i32
      %dma_start3A_573 = tpu.memref_slice %arg5[%select_n3A_569, %dma_start3A_570, %dma_start3A_571, %dma_start3A_572] : memref<8x2x16x1024xf32, #tpu.memory_space<vmem_shared>> -> memref<1x1x16x1024xf32, #tpu.memory_space<vmem_shared>>
      %dma_start3A_574 = tpu.memref_squeeze %dma_start3A_573 : memref<1x1x16x1024xf32, #tpu.memory_space<vmem_shared>> -> memref<16x1024xf32, #tpu.memory_space<vmem_shared>>
      %dma_start3A_575 = arith.constant 0 : i32
      %dma_start3A_576 = tpu.memref_slice %arg2[%add3A_545, %dma_start3A_575] : memref<8192x1024xf32, #tpu.memory_space<hbm>> -> memref<16x1024xf32, #tpu.memory_space<hbm>>
      tpu.enqueue_dma source(%dma_start3A_576 : memref<16x1024xf32, #tpu.memory_space<hbm>>) target(%dma_start3A_574 : memref<16x1024xf32, #tpu.memory_space<vmem_shared>>) target_semaphore(%arg7 : memref<!tpu.dma_semaphore, #tpu.memory_space<semaphore_mem>>)
      %dma_wait3A_577 = arith.constant 0 : i32
      %dma_wait3A_578 = arith.constant 0 : i32
      %dma_wait3A_579 = arith.constant 0 : i32
      %dma_wait3A_580 = tpu.memref_slice %arg5[%select_n3A_489, %dma_wait3A_577, %dma_wait3A_578, %dma_wait3A_579] : memref<8x2x16x1024xf32, #tpu.memory_space<vmem_shared>> -> memref<1x1x16x1024xf32, #tpu.memory_space<vmem_shared>>
      %dma_wait3A_581 = tpu.memref_squeeze %dma_wait3A_580 : memref<1x1x16x1024xf32, #tpu.memory_space<vmem_shared>> -> memref<16x1024xf32, #tpu.memory_space<vmem_shared>>
      %dma_wait3A_582 = arith.constant 0 : i32
      %dma_wait3A_583 = tpu.memref_slice %arg2[%add3A_465, %dma_wait3A_582] : memref<8192x1024xf32, #tpu.memory_space<hbm>> -> memref<16x1024xf32, #tpu.memory_space<hbm>>
      tpu.wait_dma2 semaphore(%arg6 : memref<!tpu.dma_semaphore, #tpu.memory_space<semaphore_mem>>) src(%dma_wait3A_583 : memref<16x1024xf32, #tpu.memory_space<hbm>>) dst(%dma_wait3A_581 : memref<16x1024xf32, #tpu.memory_space<vmem_shared>>)
      %jit3A_584 = arith.constant 2 : i32
      %div3A_585 = arith.divsi %arg1, %jit3A_584 : i32
      %sign3A_586 = arith.constant 0 : i32
      %sign3A_587 = arith.cmpi sgt, %arg1, %sign3A_586 : i32
      %sign3A_588 = arith.extui %sign3A_587 : i1 to i32
      %sign3A_589 = arith.constant 0 : i32
      %sign3A_590 = arith.cmpi slt, %arg1, %sign3A_589 : i32
      %sign3A_591 = arith.extui %sign3A_590 : i1 to i32
      %sign3A_592 = arith.subi %sign3A_588, %sign3A_591 : i32
      %sign3A_593 = arith.constant 0 : i32
      %sign3A_594 = arith.cmpi sgt, %jit3A_584, %sign3A_593 : i32
      %sign3A_595 = arith.extui %sign3A_594 : i1 to i32
      %sign3A_596 = arith.constant 0 : i32
      %sign3A_597 = arith.cmpi slt, %jit3A_584, %sign3A_596 : i32
      %sign3A_598 = arith.extui %sign3A_597 : i1 to i32
      %sign3A_599 = arith.subi %sign3A_595, %sign3A_598 : i32
      %ne3A_600 = arith.cmpi ne, %sign3A_592, %sign3A_599 : i32
      %rem3A_601 = arith.remsi %arg1, %jit3A_584 : i32
      %ne3A_602 = arith.constant 0 : i32
      %ne3A_603 = arith.cmpi ne, %rem3A_601, %ne3A_602 : i32
      %and3A_604 = arith.andi %ne3A_600, %ne3A_603 : i1
      %sub3A_605 = arith.constant 1 : i32
      %sub3A_606 = arith.subi %div3A_585, %sub3A_605 : i32
      %select_n3A_607 = arith.select %and3A_604, %sub3A_606, %div3A_585 : i32
      %add3A_608 = arith.constant 96 : i32
      %add3A_609 = arith.addi %mul3A_2, %add3A_608 : i32
      %dma_start3A_610 = arith.constant 0 : i32
      %dma_start3A_611 = arith.constant 0 : i32
      %dma_start3A_612 = tpu.memref_slice %arg3[%add3A_609, %dma_start3A_611] : memref<8192x1024xf32, #tpu.memory_space<hbm>> -> memref<16x1024xf32, #tpu.memory_space<hbm>>
      %dma_start3A_613 = arith.constant 0 : i32
      %dma_start3A_614 = arith.constant 0 : i32
      %dma_start3A_615 = tpu.memref_slice %arg5[%select_n3A_607, %dma_start3A_610, %dma_start3A_613, %dma_start3A_614] : memref<8x2x16x1024xf32, #tpu.memory_space<vmem_shared>> -> memref<1x1x16x1024xf32, #tpu.memory_space<vmem_shared>>
      %dma_start3A_616 = tpu.memref_squeeze %dma_start3A_615 : memref<1x1x16x1024xf32, #tpu.memory_space<vmem_shared>> -> memref<16x1024xf32, #tpu.memory_space<vmem_shared>>
      tpu.enqueue_dma source(%dma_start3A_616 : memref<16x1024xf32, #tpu.memory_space<vmem_shared>>) target(%dma_start3A_612 : memref<16x1024xf32, #tpu.memory_space<hbm>>) target_semaphore(%arg9 : memref<!tpu.dma_semaphore, #tpu.memory_space<semaphore_mem>>)
      %dma_wait3A_617 = arith.constant 0 : i32
      %dma_wait3A_618 = arith.constant 0 : i32
      %dma_wait3A_619 = tpu.memref_slice %arg3[%add3A_609, %dma_wait3A_618] : memref<8192x1024xf32, #tpu.memory_space<hbm>> -> memref<16x1024xf32, #tpu.memory_space<hbm>>
      %dma_wait3A_620 = arith.constant 0 : i32
      %dma_wait3A_621 = arith.constant 0 : i32
      %dma_wait3A_622 = tpu.memref_slice %arg5[%select_n3A_607, %dma_wait3A_617, %dma_wait3A_620, %dma_wait3A_621] : memref<8x2x16x1024xf32, #tpu.memory_space<vmem_shared>> -> memref<1x1x16x1024xf32, #tpu.memory_space<vmem_shared>>
      %dma_wait3A_623 = tpu.memref_squeeze %dma_wait3A_622 : memref<1x1x16x1024xf32, #tpu.memory_space<vmem_shared>> -> memref<16x1024xf32, #tpu.memory_space<vmem_shared>>
      tpu.wait_dma2 semaphore(%arg9 : memref<!tpu.dma_semaphore, #tpu.memory_space<semaphore_mem>>) src(%dma_wait3A_623 : memref<16x1024xf32, #tpu.memory_space<vmem_shared>>) dst(%dma_wait3A_619 : memref<16x1024xf32, #tpu.memory_space<hbm>>)
      %add3A_624 = arith.constant 128 : i32
      %add3A_625 = arith.addi %mul3A_2, %add3A_624 : i32
      %jit3A_626 = arith.constant 2 : i32
      %div3A_627 = arith.divsi %arg1, %jit3A_626 : i32
      %sign3A_628 = arith.constant 0 : i32
      %sign3A_629 = arith.cmpi sgt, %arg1, %sign3A_628 : i32
      %sign3A_630 = arith.extui %sign3A_629 : i1 to i32
      %sign3A_631 = arith.constant 0 : i32
      %sign3A_632 = arith.cmpi slt, %arg1, %sign3A_631 : i32
      %sign3A_633 = arith.extui %sign3A_632 : i1 to i32
      %sign3A_634 = arith.subi %sign3A_630, %sign3A_633 : i32
      %sign3A_635 = arith.constant 0 : i32
      %sign3A_636 = arith.cmpi sgt, %jit3A_626, %sign3A_635 : i32
      %sign3A_637 = arith.extui %sign3A_636 : i1 to i32
      %sign3A_638 = arith.constant 0 : i32
      %sign3A_639 = arith.cmpi slt, %jit3A_626, %sign3A_638 : i32
      %sign3A_640 = arith.extui %sign3A_639 : i1 to i32
      %sign3A_641 = arith.subi %sign3A_637, %sign3A_640 : i32
      %ne3A_642 = arith.cmpi ne, %sign3A_634, %sign3A_641 : i32
      %rem3A_643 = arith.remsi %arg1, %jit3A_626 : i32
      %ne3A_644 = arith.constant 0 : i32
      %ne3A_645 = arith.cmpi ne, %rem3A_643, %ne3A_644 : i32
      %and3A_646 = arith.andi %ne3A_642, %ne3A_645 : i1
      %sub3A_647 = arith.constant 1 : i32
      %sub3A_648 = arith.subi %div3A_627, %sub3A_647 : i32
      %select_n3A_649 = arith.select %and3A_646, %sub3A_648, %div3A_627 : i32
      %dma_start3A_650 = arith.constant 0 : i32
      %dma_start3A_651 = arith.constant 0 : i32
      %dma_start3A_652 = arith.constant 0 : i32
      %dma_start3A_653 = tpu.memref_slice %arg5[%select_n3A_649, %dma_start3A_650, %dma_start3A_651, %dma_start3A_652] : memref<8x2x16x1024xf32, #tpu.memory_space<vmem_shared>> -> memref<1x1x16x1024xf32, #tpu.memory_space<vmem_shared>>
      %dma_start3A_654 = tpu.memref_squeeze %dma_start3A_653 : memref<1x1x16x1024xf32, #tpu.memory_space<vmem_shared>> -> memref<16x1024xf32, #tpu.memory_space<vmem_shared>>
      %dma_start3A_655 = arith.constant 0 : i32
      %dma_start3A_656 = tpu.memref_slice %arg2[%add3A_625, %dma_start3A_655] : memref<8192x1024xf32, #tpu.memory_space<hbm>> -> memref<16x1024xf32, #tpu.memory_space<hbm>>
      tpu.enqueue_dma source(%dma_start3A_656 : memref<16x1024xf32, #tpu.memory_space<hbm>>) target(%dma_start3A_654 : memref<16x1024xf32, #tpu.memory_space<vmem_shared>>) target_semaphore(%arg6 : memref<!tpu.dma_semaphore, #tpu.memory_space<semaphore_mem>>)
      %dma_wait3A_657 = arith.constant 1 : i32
      %dma_wait3A_658 = arith.constant 0 : i32
      %dma_wait3A_659 = arith.constant 0 : i32
      %dma_wait3A_660 = tpu.memref_slice %arg5[%select_n3A_569, %dma_wait3A_657, %dma_wait3A_658, %dma_wait3A_659] : memref<8x2x16x1024xf32, #tpu.memory_space<vmem_shared>> -> memref<1x1x16x1024xf32, #tpu.memory_space<vmem_shared>>
      %dma_wait3A_661 = tpu.memref_squeeze %dma_wait3A_660 : memref<1x1x16x1024xf32, #tpu.memory_space<vmem_shared>> -> memref<16x1024xf32, #tpu.memory_space<vmem_shared>>
      %dma_wait3A_662 = arith.constant 0 : i32
      %dma_wait3A_663 = tpu.memref_slice %arg2[%add3A_545, %dma_wait3A_662] : memref<8192x1024xf32, #tpu.memory_space<hbm>> -> memref<16x1024xf32, #tpu.memory_space<hbm>>
      tpu.wait_dma2 semaphore(%arg7 : memref<!tpu.dma_semaphore, #tpu.memory_space<semaphore_mem>>) src(%dma_wait3A_663 : memref<16x1024xf32, #tpu.memory_space<hbm>>) dst(%dma_wait3A_661 : memref<16x1024xf32, #tpu.memory_space<vmem_shared>>)
      %jit3A_664 = arith.constant 2 : i32
      %div3A_665 = arith.divsi %arg1, %jit3A_664 : i32
      %sign3A_666 = arith.constant 0 : i32
      %sign3A_667 = arith.cmpi sgt, %arg1, %sign3A_666 : i32
      %sign3A_668 = arith.extui %sign3A_667 : i1 to i32
      %sign3A_669 = arith.constant 0 : i32
      %sign3A_670 = arith.cmpi slt, %arg1, %sign3A_669 : i32
      %sign3A_671 = arith.extui %sign3A_670 : i1 to i32
      %sign3A_672 = arith.subi %sign3A_668, %sign3A_671 : i32
      %sign3A_673 = arith.constant 0 : i32
      %sign3A_674 = arith.cmpi sgt, %jit3A_664, %sign3A_673 : i32
      %sign3A_675 = arith.extui %sign3A_674 : i1 to i32
      %sign3A_676 = arith.constant 0 : i32
      %sign3A_677 = arith.cmpi slt, %jit3A_664, %sign3A_676 : i32
      %sign3A_678 = arith.extui %sign3A_677 : i1 to i32
      %sign3A_679 = arith.subi %sign3A_675, %sign3A_678 : i32
      %ne3A_680 = arith.cmpi ne, %sign3A_672, %sign3A_679 : i32
      %rem3A_681 = arith.remsi %arg1, %jit3A_664 : i32
      %ne3A_682 = arith.constant 0 : i32
      %ne3A_683 = arith.cmpi ne, %rem3A_681, %ne3A_682 : i32
      %and3A_684 = arith.andi %ne3A_680, %ne3A_683 : i1
      %sub3A_685 = arith.constant 1 : i32
      %sub3A_686 = arith.subi %div3A_665, %sub3A_685 : i32
      %select_n3A_687 = arith.select %and3A_684, %sub3A_686, %div3A_665 : i32
      %add3A_688 = arith.constant 112 : i32
      %add3A_689 = arith.addi %mul3A_2, %add3A_688 : i32
      %dma_start3A_690 = arith.constant 1 : i32
      %dma_start3A_691 = arith.constant 0 : i32
      %dma_start3A_692 = tpu.memref_slice %arg3[%add3A_689, %dma_start3A_691] : memref<8192x1024xf32, #tpu.memory_space<hbm>> -> memref<16x1024xf32, #tpu.memory_space<hbm>>
      %dma_start3A_693 = arith.constant 0 : i32
      %dma_start3A_694 = arith.constant 0 : i32
      %dma_start3A_695 = tpu.memref_slice %arg5[%select_n3A_687, %dma_start3A_690, %dma_start3A_693, %dma_start3A_694] : memref<8x2x16x1024xf32, #tpu.memory_space<vmem_shared>> -> memref<1x1x16x1024xf32, #tpu.memory_space<vmem_shared>>
      %dma_start3A_696 = tpu.memref_squeeze %dma_start3A_695 : memref<1x1x16x1024xf32, #tpu.memory_space<vmem_shared>> -> memref<16x1024xf32, #tpu.memory_space<vmem_shared>>
      tpu.enqueue_dma source(%dma_start3A_696 : memref<16x1024xf32, #tpu.memory_space<vmem_shared>>) target(%dma_start3A_692 : memref<16x1024xf32, #tpu.memory_space<hbm>>) target_semaphore(%arg10 : memref<!tpu.dma_semaphore, #tpu.memory_space<semaphore_mem>>)
      %dma_wait3A_697 = arith.constant 1 : i32
      %dma_wait3A_698 = arith.constant 0 : i32
      %dma_wait3A_699 = tpu.memref_slice %arg3[%add3A_689, %dma_wait3A_698] : memref<8192x1024xf32, #tpu.memory_space<hbm>> -> memref<16x1024xf32, #tpu.memory_space<hbm>>
      %dma_wait3A_700 = arith.constant 0 : i32
      %dma_wait3A_701 = arith.constant 0 : i32
      %dma_wait3A_702 = tpu.memref_slice %arg5[%select_n3A_687, %dma_wait3A_697, %dma_wait3A_700, %dma_wait3A_701] : memref<8x2x16x1024xf32, #tpu.memory_space<vmem_shared>> -> memref<1x1x16x1024xf32, #tpu.memory_space<vmem_shared>>
      %dma_wait3A_703 = tpu.memref_squeeze %dma_wait3A_702 : memref<1x1x16x1024xf32, #tpu.memory_space<vmem_shared>> -> memref<16x1024xf32, #tpu.memory_space<vmem_shared>>
      tpu.wait_dma2 semaphore(%arg10 : memref<!tpu.dma_semaphore, #tpu.memory_space<semaphore_mem>>) src(%dma_wait3A_703 : memref<16x1024xf32, #tpu.memory_space<vmem_shared>>) dst(%dma_wait3A_699 : memref<16x1024xf32, #tpu.memory_space<hbm>>)
      %add3A_704 = arith.constant 144 : i32
      %add3A_705 = arith.addi %mul3A_2, %add3A_704 : i32
      %jit3A_706 = arith.constant 2 : i32
      %div3A_707 = arith.divsi %arg1, %jit3A_706 : i32
      %sign3A_708 = arith.constant 0 : i32
      %sign3A_709 = arith.cmpi sgt, %arg1, %sign3A_708 : i32
      %sign3A_710 = arith.extui %sign3A_709 : i1 to i32
      %sign3A_711 = arith.constant 0 : i32
      %sign3A_712 = arith.cmpi slt, %arg1, %sign3A_711 : i32
      %sign3A_713 = arith.extui %sign3A_712 : i1 to i32
      %sign3A_714 = arith.subi %sign3A_710, %sign3A_713 : i32
      %sign3A_715 = arith.constant 0 : i32
      %sign3A_716 = arith.cmpi sgt, %jit3A_706, %sign3A_715 : i32
      %sign3A_717 = arith.extui %sign3A_716 : i1 to i32
      %sign3A_718 = arith.constant 0 : i32
      %sign3A_719 = arith.cmpi slt, %jit3A_706, %sign3A_718 : i32
      %sign3A_720 = arith.extui %sign3A_719 : i1 to i32
      %sign3A_721 = arith.subi %sign3A_717, %sign3A_720 : i32
      %ne3A_722 = arith.cmpi ne, %sign3A_714, %sign3A_721 : i32
      %rem3A_723 = arith.remsi %arg1, %jit3A_706 : i32
      %ne3A_724 = arith.constant 0 : i32
      %ne3A_725 = arith.cmpi ne, %rem3A_723, %ne3A_724 : i32
      %and3A_726 = arith.andi %ne3A_722, %ne3A_725 : i1
      %sub3A_727 = arith.constant 1 : i32
      %sub3A_728 = arith.subi %div3A_707, %sub3A_727 : i32
      %select_n3A_729 = arith.select %and3A_726, %sub3A_728, %div3A_707 : i32
      %dma_start3A_730 = arith.constant 1 : i32
      %dma_start3A_731 = arith.constant 0 : i32
      %dma_start3A_732 = arith.constant 0 : i32
      %dma_start3A_733 = tpu.memref_slice %arg5[%select_n3A_729, %dma_start3A_730, %dma_start3A_731, %dma_start3A_732] : memref<8x2x16x1024xf32, #tpu.memory_space<vmem_shared>> -> memref<1x1x16x1024xf32, #tpu.memory_space<vmem_shared>>
      %dma_start3A_734 = tpu.memref_squeeze %dma_start3A_733 : memref<1x1x16x1024xf32, #tpu.memory_space<vmem_shared>> -> memref<16x1024xf32, #tpu.memory_space<vmem_shared>>
      %dma_start3A_735 = arith.constant 0 : i32
      %dma_start3A_736 = tpu.memref_slice %arg2[%add3A_705, %dma_start3A_735] : memref<8192x1024xf32, #tpu.memory_space<hbm>> -> memref<16x1024xf32, #tpu.memory_space<hbm>>
      tpu.enqueue_dma source(%dma_start3A_736 : memref<16x1024xf32, #tpu.memory_space<hbm>>) target(%dma_start3A_734 : memref<16x1024xf32, #tpu.memory_space<vmem_shared>>) target_semaphore(%arg7 : memref<!tpu.dma_semaphore, #tpu.memory_space<semaphore_mem>>)
      %dma_wait3A_737 = arith.constant 0 : i32
      %dma_wait3A_738 = arith.constant 0 : i32
      %dma_wait3A_739 = arith.constant 0 : i32
      %dma_wait3A_740 = tpu.memref_slice %arg5[%select_n3A_649, %dma_wait3A_737, %dma_wait3A_738, %dma_wait3A_739] : memref<8x2x16x1024xf32, #tpu.memory_space<vmem_shared>> -> memref<1x1x16x1024xf32, #tpu.memory_space<vmem_shared>>
      %dma_wait3A_741 = tpu.memref_squeeze %dma_wait3A_740 : memref<1x1x16x1024xf32, #tpu.memory_space<vmem_shared>> -> memref<16x1024xf32, #tpu.memory_space<vmem_shared>>
      %dma_wait3A_742 = arith.constant 0 : i32
      %dma_wait3A_743 = tpu.memref_slice %arg2[%add3A_625, %dma_wait3A_742] : memref<8192x1024xf32, #tpu.memory_space<hbm>> -> memref<16x1024xf32, #tpu.memory_space<hbm>>
      tpu.wait_dma2 semaphore(%arg6 : memref<!tpu.dma_semaphore, #tpu.memory_space<semaphore_mem>>) src(%dma_wait3A_743 : memref<16x1024xf32, #tpu.memory_space<hbm>>) dst(%dma_wait3A_741 : memref<16x1024xf32, #tpu.memory_space<vmem_shared>>)
      %jit3A_744 = arith.constant 2 : i32
      %div3A_745 = arith.divsi %arg1, %jit3A_744 : i32
      %sign3A_746 = arith.constant 0 : i32
      %sign3A_747 = arith.cmpi sgt, %arg1, %sign3A_746 : i32
      %sign3A_748 = arith.extui %sign3A_747 : i1 to i32
      %sign3A_749 = arith.constant 0 : i32
      %sign3A_750 = arith.cmpi slt, %arg1, %sign3A_749 : i32
      %sign3A_751 = arith.extui %sign3A_750 : i1 to i32
      %sign3A_752 = arith.subi %sign3A_748, %sign3A_751 : i32
      %sign3A_753 = arith.constant 0 : i32
      %sign3A_754 = arith.cmpi sgt, %jit3A_744, %sign3A_753 : i32
      %sign3A_755 = arith.extui %sign3A_754 : i1 to i32
      %sign3A_756 = arith.constant 0 : i32
      %sign3A_757 = arith.cmpi slt, %jit3A_744, %sign3A_756 : i32
      %sign3A_758 = arith.extui %sign3A_757 : i1 to i32
      %sign3A_759 = arith.subi %sign3A_755, %sign3A_758 : i32
      %ne3A_760 = arith.cmpi ne, %sign3A_752, %sign3A_759 : i32
      %rem3A_761 = arith.remsi %arg1, %jit3A_744 : i32
      %ne3A_762 = arith.constant 0 : i32
      %ne3A_763 = arith.cmpi ne, %rem3A_761, %ne3A_762 : i32
      %and3A_764 = arith.andi %ne3A_760, %ne3A_763 : i1
      %sub3A_765 = arith.constant 1 : i32
      %sub3A_766 = arith.subi %div3A_745, %sub3A_765 : i32
      %select_n3A_767 = arith.select %and3A_764, %sub3A_766, %div3A_745 : i32
      %add3A_768 = arith.constant 128 : i32
      %add3A_769 = arith.addi %mul3A_2, %add3A_768 : i32
      %dma_start3A_770 = arith.constant 0 : i32
      %dma_start3A_771 = arith.constant 0 : i32
      %dma_start3A_772 = tpu.memref_slice %arg3[%add3A_769, %dma_start3A_771] : memref<8192x1024xf32, #tpu.memory_space<hbm>> -> memref<16x1024xf32, #tpu.memory_space<hbm>>
      %dma_start3A_773 = arith.constant 0 : i32
      %dma_start3A_774 = arith.constant 0 : i32
      %dma_start3A_775 = tpu.memref_slice %arg5[%select_n3A_767, %dma_start3A_770, %dma_start3A_773, %dma_start3A_774] : memref<8x2x16x1024xf32, #tpu.memory_space<vmem_shared>> -> memref<1x1x16x1024xf32, #tpu.memory_space<vmem_shared>>
      %dma_start3A_776 = tpu.memref_squeeze %dma_start3A_775 : memref<1x1x16x1024xf32, #tpu.memory_space<vmem_shared>> -> memref<16x1024xf32, #tpu.memory_space<vmem_shared>>
      tpu.enqueue_dma source(%dma_start3A_776 : memref<16x1024xf32, #tpu.memory_space<vmem_shared>>) target(%dma_start3A_772 : memref<16x1024xf32, #tpu.memory_space<hbm>>) target_semaphore(%arg9 : memref<!tpu.dma_semaphore, #tpu.memory_space<semaphore_mem>>)
      %dma_wait3A_777 = arith.constant 0 : i32
      %dma_wait3A_778 = arith.constant 0 : i32
      %dma_wait3A_779 = tpu.memref_slice %arg3[%add3A_769, %dma_wait3A_778] : memref<8192x1024xf32, #tpu.memory_space<hbm>> -> memref<16x1024xf32, #tpu.memory_space<hbm>>
      %dma_wait3A_780 = arith.constant 0 : i32
      %dma_wait3A_781 = arith.constant 0 : i32
      %dma_wait3A_782 = tpu.memref_slice %arg5[%select_n3A_767, %dma_wait3A_777, %dma_wait3A_780, %dma_wait3A_781] : memref<8x2x16x1024xf32, #tpu.memory_space<vmem_shared>> -> memref<1x1x16x1024xf32, #tpu.memory_space<vmem_shared>>
      %dma_wait3A_783 = tpu.memref_squeeze %dma_wait3A_782 : memref<1x1x16x1024xf32, #tpu.memory_space<vmem_shared>> -> memref<16x1024xf32, #tpu.memory_space<vmem_shared>>
      tpu.wait_dma2 semaphore(%arg9 : memref<!tpu.dma_semaphore, #tpu.memory_space<semaphore_mem>>) src(%dma_wait3A_783 : memref<16x1024xf32, #tpu.memory_space<vmem_shared>>) dst(%dma_wait3A_779 : memref<16x1024xf32, #tpu.memory_space<hbm>>)
      %add3A_784 = arith.constant 160 : i32
      %add3A_785 = arith.addi %mul3A_2, %add3A_784 : i32
      %jit3A_786 = arith.constant 2 : i32
      %div3A_787 = arith.divsi %arg1, %jit3A_786 : i32
      %sign3A_788 = arith.constant 0 : i32
      %sign3A_789 = arith.cmpi sgt, %arg1, %sign3A_788 : i32
      %sign3A_790 = arith.extui %sign3A_789 : i1 to i32
      %sign3A_791 = arith.constant 0 : i32
      %sign3A_792 = arith.cmpi slt, %arg1, %sign3A_791 : i32
      %sign3A_793 = arith.extui %sign3A_792 : i1 to i32
      %sign3A_794 = arith.subi %sign3A_790, %sign3A_793 : i32
      %sign3A_795 = arith.constant 0 : i32
      %sign3A_796 = arith.cmpi sgt, %jit3A_786, %sign3A_795 : i32
      %sign3A_797 = arith.extui %sign3A_796 : i1 to i32
      %sign3A_798 = arith.constant 0 : i32
      %sign3A_799 = arith.cmpi slt, %jit3A_786, %sign3A_798 : i32
      %sign3A_800 = arith.extui %sign3A_799 : i1 to i32
      %sign3A_801 = arith.subi %sign3A_797, %sign3A_800 : i32
      %ne3A_802 = arith.cmpi ne, %sign3A_794, %sign3A_801 : i32
      %rem3A_803 = arith.remsi %arg1, %jit3A_786 : i32
      %ne3A_804 = arith.constant 0 : i32
      %ne3A_805 = arith.cmpi ne, %rem3A_803, %ne3A_804 : i32
      %and3A_806 = arith.andi %ne3A_802, %ne3A_805 : i1
      %sub3A_807 = arith.constant 1 : i32
      %sub3A_808 = arith.subi %div3A_787, %sub3A_807 : i32
      %select_n3A_809 = arith.select %and3A_806, %sub3A_808, %div3A_787 : i32
      %dma_start3A_810 = arith.constant 0 : i32
      %dma_start3A_811 = arith.constant 0 : i32
      %dma_start3A_812 = arith.constant 0 : i32
      %dma_start3A_813 = tpu.memref_slice %arg5[%select_n3A_809, %dma_start3A_810, %dma_start3A_811, %dma_start3A_812] : memref<8x2x16x1024xf32, #tpu.memory_space<vmem_shared>> -> memref<1x1x16x1024xf32, #tpu.memory_space<vmem_shared>>
      %dma_start3A_814 = tpu.memref_squeeze %dma_start3A_813 : memref<1x1x16x1024xf32, #tpu.memory_space<vmem_shared>> -> memref<16x1024xf32, #tpu.memory_space<vmem_shared>>
      %dma_start3A_815 = arith.constant 0 : i32
      %dma_start3A_816 = tpu.memref_slice %arg2[%add3A_785, %dma_start3A_815] : memref<8192x1024xf32, #tpu.memory_space<hbm>> -> memref<16x1024xf32, #tpu.memory_space<hbm>>
      tpu.enqueue_dma source(%dma_start3A_816 : memref<16x1024xf32, #tpu.memory_space<hbm>>) target(%dma_start3A_814 : memref<16x1024xf32, #tpu.memory_space<vmem_shared>>) target_semaphore(%arg6 : memref<!tpu.dma_semaphore, #tpu.memory_space<semaphore_mem>>)
      %dma_wait3A_817 = arith.constant 1 : i32
      %dma_wait3A_818 = arith.constant 0 : i32
      %dma_wait3A_819 = arith.constant 0 : i32
      %dma_wait3A_820 = tpu.memref_slice %arg5[%select_n3A_729, %dma_wait3A_817, %dma_wait3A_818, %dma_wait3A_819] : memref<8x2x16x1024xf32, #tpu.memory_space<vmem_shared>> -> memref<1x1x16x1024xf32, #tpu.memory_space<vmem_shared>>
      %dma_wait3A_821 = tpu.memref_squeeze %dma_wait3A_820 : memref<1x1x16x1024xf32, #tpu.memory_space<vmem_shared>> -> memref<16x1024xf32, #tpu.memory_space<vmem_shared>>
      %dma_wait3A_822 = arith.constant 0 : i32
      %dma_wait3A_823 = tpu.memref_slice %arg2[%add3A_705, %dma_wait3A_822] : memref<8192x1024xf32, #tpu.memory_space<hbm>> -> memref<16x1024xf32, #tpu.memory_space<hbm>>
      tpu.wait_dma2 semaphore(%arg7 : memref<!tpu.dma_semaphore, #tpu.memory_space<semaphore_mem>>) src(%dma_wait3A_823 : memref<16x1024xf32, #tpu.memory_space<hbm>>) dst(%dma_wait3A_821 : memref<16x1024xf32, #tpu.memory_space<vmem_shared>>)
      %jit3A_824 = arith.constant 2 : i32
      %div3A_825 = arith.divsi %arg1, %jit3A_824 : i32
      %sign3A_826 = arith.constant 0 : i32
      %sign3A_827 = arith.cmpi sgt, %arg1, %sign3A_826 : i32
      %sign3A_828 = arith.extui %sign3A_827 : i1 to i32
      %sign3A_829 = arith.constant 0 : i32
      %sign3A_830 = arith.cmpi slt, %arg1, %sign3A_829 : i32
      %sign3A_831 = arith.extui %sign3A_830 : i1 to i32
      %sign3A_832 = arith.subi %sign3A_828, %sign3A_831 : i32
      %sign3A_833 = arith.constant 0 : i32
      %sign3A_834 = arith.cmpi sgt, %jit3A_824, %sign3A_833 : i32
      %sign3A_835 = arith.extui %sign3A_834 : i1 to i32
      %sign3A_836 = arith.constant 0 : i32
      %sign3A_837 = arith.cmpi slt, %jit3A_824, %sign3A_836 : i32
      %sign3A_838 = arith.extui %sign3A_837 : i1 to i32
      %sign3A_839 = arith.subi %sign3A_835, %sign3A_838 : i32
      %ne3A_840 = arith.cmpi ne, %sign3A_832, %sign3A_839 : i32
      %rem3A_841 = arith.remsi %arg1, %jit3A_824 : i32
      %ne3A_842 = arith.constant 0 : i32
      %ne3A_843 = arith.cmpi ne, %rem3A_841, %ne3A_842 : i32
      %and3A_844 = arith.andi %ne3A_840, %ne3A_843 : i1
      %sub3A_845 = arith.constant 1 : i32
      %sub3A_846 = arith.subi %div3A_825, %sub3A_845 : i32
      %select_n3A_847 = arith.select %and3A_844, %sub3A_846, %div3A_825 : i32
      %add3A_848 = arith.constant 144 : i32
      %add3A_849 = arith.addi %mul3A_2, %add3A_848 : i32
      %dma_start3A_850 = arith.constant 1 : i32
      %dma_start3A_851 = arith.constant 0 : i32
      %dma_start3A_852 = tpu.memref_slice %arg3[%add3A_849, %dma_start3A_851] : memref<8192x1024xf32, #tpu.memory_space<hbm>> -> memref<16x1024xf32, #tpu.memory_space<hbm>>
      %dma_start3A_853 = arith.constant 0 : i32
      %dma_start3A_854 = arith.constant 0 : i32
      %dma_start3A_855 = tpu.memref_slice %arg5[%select_n3A_847, %dma_start3A_850, %dma_start3A_853, %dma_start3A_854] : memref<8x2x16x1024xf32, #tpu.memory_space<vmem_shared>> -> memref<1x1x16x1024xf32, #tpu.memory_space<vmem_shared>>
      %dma_start3A_856 = tpu.memref_squeeze %dma_start3A_855 : memref<1x1x16x1024xf32, #tpu.memory_space<vmem_shared>> -> memref<16x1024xf32, #tpu.memory_space<vmem_shared>>
      tpu.enqueue_dma source(%dma_start3A_856 : memref<16x1024xf32, #tpu.memory_space<vmem_shared>>) target(%dma_start3A_852 : memref<16x1024xf32, #tpu.memory_space<hbm>>) target_semaphore(%arg10 : memref<!tpu.dma_semaphore, #tpu.memory_space<semaphore_mem>>)
      %dma_wait3A_857 = arith.constant 1 : i32
      %dma_wait3A_858 = arith.constant 0 : i32
      %dma_wait3A_859 = tpu.memref_slice %arg3[%add3A_849, %dma_wait3A_858] : memref<8192x1024xf32, #tpu.memory_space<hbm>> -> memref<16x1024xf32, #tpu.memory_space<hbm>>
      %dma_wait3A_860 = arith.constant 0 : i32
      %dma_wait3A_861 = arith.constant 0 : i32
      %dma_wait3A_862 = tpu.memref_slice %arg5[%select_n3A_847, %dma_wait3A_857, %dma_wait3A_860, %dma_wait3A_861] : memref<8x2x16x1024xf32, #tpu.memory_space<vmem_shared>> -> memref<1x1x16x1024xf32, #tpu.memory_space<vmem_shared>>
      %dma_wait3A_863 = tpu.memref_squeeze %dma_wait3A_862 : memref<1x1x16x1024xf32, #tpu.memory_space<vmem_shared>> -> memref<16x1024xf32, #tpu.memory_space<vmem_shared>>
      tpu.wait_dma2 semaphore(%arg10 : memref<!tpu.dma_semaphore, #tpu.memory_space<semaphore_mem>>) src(%dma_wait3A_863 : memref<16x1024xf32, #tpu.memory_space<vmem_shared>>) dst(%dma_wait3A_859 : memref<16x1024xf32, #tpu.memory_space<hbm>>)
      %add3A_864 = arith.constant 176 : i32
      %add3A_865 = arith.addi %mul3A_2, %add3A_864 : i32
      %jit3A_866 = arith.constant 2 : i32
      %div3A_867 = arith.divsi %arg1, %jit3A_866 : i32
      %sign3A_868 = arith.constant 0 : i32
      %sign3A_869 = arith.cmpi sgt, %arg1, %sign3A_868 : i32
      %sign3A_870 = arith.extui %sign3A_869 : i1 to i32
      %sign3A_871 = arith.constant 0 : i32
      %sign3A_872 = arith.cmpi slt, %arg1, %sign3A_871 : i32
      %sign3A_873 = arith.extui %sign3A_872 : i1 to i32
      %sign3A_874 = arith.subi %sign3A_870, %sign3A_873 : i32
      %sign3A_875 = arith.constant 0 : i32
      %sign3A_876 = arith.cmpi sgt, %jit3A_866, %sign3A_875 : i32
      %sign3A_877 = arith.extui %sign3A_876 : i1 to i32
      %sign3A_878 = arith.constant 0 : i32
      %sign3A_879 = arith.cmpi slt, %jit3A_866, %sign3A_878 : i32
      %sign3A_880 = arith.extui %sign3A_879 : i1 to i32
      %sign3A_881 = arith.subi %sign3A_877, %sign3A_880 : i32
      %ne3A_882 = arith.cmpi ne, %sign3A_874, %sign3A_881 : i32
      %rem3A_883 = arith.remsi %arg1, %jit3A_866 : i32
      %ne3A_884 = arith.constant 0 : i32
      %ne3A_885 = arith.cmpi ne, %rem3A_883, %ne3A_884 : i32
      %and3A_886 = arith.andi %ne3A_882, %ne3A_885 : i1
      %sub3A_887 = arith.constant 1 : i32
      %sub3A_888 = arith.subi %div3A_867, %sub3A_887 : i32
      %select_n3A_889 = arith.select %and3A_886, %sub3A_888, %div3A_867 : i32
      %dma_start3A_890 = arith.constant 1 : i32
      %dma_start3A_891 = arith.constant 0 : i32
      %dma_start3A_892 = arith.constant 0 : i32
      %dma_start3A_893 = tpu.memref_slice %arg5[%select_n3A_889, %dma_start3A_890, %dma_start3A_891, %dma_start3A_892] : memref<8x2x16x1024xf32, #tpu.memory_space<vmem_shared>> -> memref<1x1x16x1024xf32, #tpu.memory_space<vmem_shared>>
      %dma_start3A_894 = tpu.memref_squeeze %dma_start3A_893 : memref<1x1x16x1024xf32, #tpu.memory_space<vmem_shared>> -> memref<16x1024xf32, #tpu.memory_space<vmem_shared>>
      %dma_start3A_895 = arith.constant 0 : i32
      %dma_start3A_896 = tpu.memref_slice %arg2[%add3A_865, %dma_start3A_895] : memref<8192x1024xf32, #tpu.memory_space<hbm>> -> memref<16x1024xf32, #tpu.memory_space<hbm>>
      tpu.enqueue_dma source(%dma_start3A_896 : memref<16x1024xf32, #tpu.memory_space<hbm>>) target(%dma_start3A_894 : memref<16x1024xf32, #tpu.memory_space<vmem_shared>>) target_semaphore(%arg7 : memref<!tpu.dma_semaphore, #tpu.memory_space<semaphore_mem>>)
      %dma_wait3A_897 = arith.constant 0 : i32
      %dma_wait3A_898 = arith.constant 0 : i32
      %dma_wait3A_899 = arith.constant 0 : i32
      %dma_wait3A_900 = tpu.memref_slice %arg5[%select_n3A_809, %dma_wait3A_897, %dma_wait3A_898, %dma_wait3A_899] : memref<8x2x16x1024xf32, #tpu.memory_space<vmem_shared>> -> memref<1x1x16x1024xf32, #tpu.memory_space<vmem_shared>>
      %dma_wait3A_901 = tpu.memref_squeeze %dma_wait3A_900 : memref<1x1x16x1024xf32, #tpu.memory_space<vmem_shared>> -> memref<16x1024xf32, #tpu.memory_space<vmem_shared>>
      %dma_wait3A_902 = arith.constant 0 : i32
      %dma_wait3A_903 = tpu.memref_slice %arg2[%add3A_785, %dma_wait3A_902] : memref<8192x1024xf32, #tpu.memory_space<hbm>> -> memref<16x1024xf32, #tpu.memory_space<hbm>>
      tpu.wait_dma2 semaphore(%arg6 : memref<!tpu.dma_semaphore, #tpu.memory_space<semaphore_mem>>) src(%dma_wait3A_903 : memref<16x1024xf32, #tpu.memory_space<hbm>>) dst(%dma_wait3A_901 : memref<16x1024xf32, #tpu.memory_space<vmem_shared>>)
      %jit3A_904 = arith.constant 2 : i32
      %div3A_905 = arith.divsi %arg1, %jit3A_904 : i32
      %sign3A_906 = arith.constant 0 : i32
      %sign3A_907 = arith.cmpi sgt, %arg1, %sign3A_906 : i32
      %sign3A_908 = arith.extui %sign3A_907 : i1 to i32
      %sign3A_909 = arith.constant 0 : i32
      %sign3A_910 = arith.cmpi slt, %arg1, %sign3A_909 : i32
      %sign3A_911 = arith.extui %sign3A_910 : i1 to i32
      %sign3A_912 = arith.subi %sign3A_908, %sign3A_911 : i32
      %sign3A_913 = arith.constant 0 : i32
      %sign3A_914 = arith.cmpi sgt, %jit3A_904, %sign3A_913 : i32
      %sign3A_915 = arith.extui %sign3A_914 : i1 to i32
      %sign3A_916 = arith.constant 0 : i32
      %sign3A_917 = arith.cmpi slt, %jit3A_904, %sign3A_916 : i32
      %sign3A_918 = arith.extui %sign3A_917 : i1 to i32
      %sign3A_919 = arith.subi %sign3A_915, %sign3A_918 : i32
      %ne3A_920 = arith.cmpi ne, %sign3A_912, %sign3A_919 : i32
      %rem3A_921 = arith.remsi %arg1, %jit3A_904 : i32
      %ne3A_922 = arith.constant 0 : i32
      %ne3A_923 = arith.cmpi ne, %rem3A_921, %ne3A_922 : i32
      %and3A_924 = arith.andi %ne3A_920, %ne3A_923 : i1
      %sub3A_925 = arith.constant 1 : i32
      %sub3A_926 = arith.subi %div3A_905, %sub3A_925 : i32
      %select_n3A_927 = arith.select %and3A_924, %sub3A_926, %div3A_905 : i32
      %add3A_928 = arith.constant 160 : i32
      %add3A_929 = arith.addi %mul3A_2, %add3A_928 : i32
      %dma_start3A_930 = arith.constant 0 : i32
      %dma_start3A_931 = arith.constant 0 : i32
      %dma_start3A_932 = tpu.memref_slice %arg3[%add3A_929, %dma_start3A_931] : memref<8192x1024xf32, #tpu.memory_space<hbm>> -> memref<16x1024xf32, #tpu.memory_space<hbm>>
      %dma_start3A_933 = arith.constant 0 : i32
      %dma_start3A_934 = arith.constant 0 : i32
      %dma_start3A_935 = tpu.memref_slice %arg5[%select_n3A_927, %dma_start3A_930, %dma_start3A_933, %dma_start3A_934] : memref<8x2x16x1024xf32, #tpu.memory_space<vmem_shared>> -> memref<1x1x16x1024xf32, #tpu.memory_space<vmem_shared>>
      %dma_start3A_936 = tpu.memref_squeeze %dma_start3A_935 : memref<1x1x16x1024xf32, #tpu.memory_space<vmem_shared>> -> memref<16x1024xf32, #tpu.memory_space<vmem_shared>>
      tpu.enqueue_dma source(%dma_start3A_936 : memref<16x1024xf32, #tpu.memory_space<vmem_shared>>) target(%dma_start3A_932 : memref<16x1024xf32, #tpu.memory_space<hbm>>) target_semaphore(%arg9 : memref<!tpu.dma_semaphore, #tpu.memory_space<semaphore_mem>>)
      %dma_wait3A_937 = arith.constant 0 : i32
      %dma_wait3A_938 = arith.constant 0 : i32
      %dma_wait3A_939 = tpu.memref_slice %arg3[%add3A_929, %dma_wait3A_938] : memref<8192x1024xf32, #tpu.memory_space<hbm>> -> memref<16x1024xf32, #tpu.memory_space<hbm>>
      %dma_wait3A_940 = arith.constant 0 : i32
      %dma_wait3A_941 = arith.constant 0 : i32
      %dma_wait3A_942 = tpu.memref_slice %arg5[%select_n3A_927, %dma_wait3A_937, %dma_wait3A_940, %dma_wait3A_941] : memref<8x2x16x1024xf32, #tpu.memory_space<vmem_shared>> -> memref<1x1x16x1024xf32, #tpu.memory_space<vmem_shared>>
      %dma_wait3A_943 = tpu.memref_squeeze %dma_wait3A_942 : memref<1x1x16x1024xf32, #tpu.memory_space<vmem_shared>> -> memref<16x1024xf32, #tpu.memory_space<vmem_shared>>
      tpu.wait_dma2 semaphore(%arg9 : memref<!tpu.dma_semaphore, #tpu.memory_space<semaphore_mem>>) src(%dma_wait3A_943 : memref<16x1024xf32, #tpu.memory_space<vmem_shared>>) dst(%dma_wait3A_939 : memref<16x1024xf32, #tpu.memory_space<hbm>>)
      %add3A_944 = arith.constant 192 : i32
      %add3A_945 = arith.addi %mul3A_2, %add3A_944 : i32
      %jit3A_946 = arith.constant 2 : i32
      %div3A_947 = arith.divsi %arg1, %jit3A_946 : i32
      %sign3A_948 = arith.constant 0 : i32
      %sign3A_949 = arith.cmpi sgt, %arg1, %sign3A_948 : i32
      %sign3A_950 = arith.extui %sign3A_949 : i1 to i32
      %sign3A_951 = arith.constant 0 : i32
      %sign3A_952 = arith.cmpi slt, %arg1, %sign3A_951 : i32
      %sign3A_953 = arith.extui %sign3A_952 : i1 to i32
      %sign3A_954 = arith.subi %sign3A_950, %sign3A_953 : i32
      %sign3A_955 = arith.constant 0 : i32
      %sign3A_956 = arith.cmpi sgt, %jit3A_946, %sign3A_955 : i32
      %sign3A_957 = arith.extui %sign3A_956 : i1 to i32
      %sign3A_958 = arith.constant 0 : i32
      %sign3A_959 = arith.cmpi slt, %jit3A_946, %sign3A_958 : i32
      %sign3A_960 = arith.extui %sign3A_959 : i1 to i32
      %sign3A_961 = arith.subi %sign3A_957, %sign3A_960 : i32
      %ne3A_962 = arith.cmpi ne, %sign3A_954, %sign3A_961 : i32
      %rem3A_963 = arith.remsi %arg1, %jit3A_946 : i32
      %ne3A_964 = arith.constant 0 : i32
      %ne3A_965 = arith.cmpi ne, %rem3A_963, %ne3A_964 : i32
      %and3A_966 = arith.andi %ne3A_962, %ne3A_965 : i1
      %sub3A_967 = arith.constant 1 : i32
      %sub3A_968 = arith.subi %div3A_947, %sub3A_967 : i32
      %select_n3A_969 = arith.select %and3A_966, %sub3A_968, %div3A_947 : i32
      %dma_start3A_970 = arith.constant 0 : i32
      %dma_start3A_971 = arith.constant 0 : i32
      %dma_start3A_972 = arith.constant 0 : i32
      %dma_start3A_973 = tpu.memref_slice %arg5[%select_n3A_969, %dma_start3A_970, %dma_start3A_971, %dma_start3A_972] : memref<8x2x16x1024xf32, #tpu.memory_space<vmem_shared>> -> memref<1x1x16x1024xf32, #tpu.memory_space<vmem_shared>>
      %dma_start3A_974 = tpu.memref_squeeze %dma_start3A_973 : memref<1x1x16x1024xf32, #tpu.memory_space<vmem_shared>> -> memref<16x1024xf32, #tpu.memory_space<vmem_shared>>
      %dma_start3A_975 = arith.constant 0 : i32
      %dma_start3A_976 = tpu.memref_slice %arg2[%add3A_945, %dma_start3A_975] : memref<8192x1024xf32, #tpu.memory_space<hbm>> -> memref<16x1024xf32, #tpu.memory_space<hbm>>
      tpu.enqueue_dma source(%dma_start3A_976 : memref<16x1024xf32, #tpu.memory_space<hbm>>) target(%dma_start3A_974 : memref<16x1024xf32, #tpu.memory_space<vmem_shared>>) target_semaphore(%arg6 : memref<!tpu.dma_semaphore, #tpu.memory_space<semaphore_mem>>)
      %dma_wait3A_977 = arith.constant 1 : i32
      %dma_wait3A_978 = arith.constant 0 : i32
      %dma_wait3A_979 = arith.constant 0 : i32
      %dma_wait3A_980 = tpu.memref_slice %arg5[%select_n3A_889, %dma_wait3A_977, %dma_wait3A_978, %dma_wait3A_979] : memref<8x2x16x1024xf32, #tpu.memory_space<vmem_shared>> -> memref<1x1x16x1024xf32, #tpu.memory_space<vmem_shared>>
      %dma_wait3A_981 = tpu.memref_squeeze %dma_wait3A_980 : memref<1x1x16x1024xf32, #tpu.memory_space<vmem_shared>> -> memref<16x1024xf32, #tpu.memory_space<vmem_shared>>
      %dma_wait3A_982 = arith.constant 0 : i32
      %dma_wait3A_983 = tpu.memref_slice %arg2[%add3A_865, %dma_wait3A_982] : memref<8192x1024xf32, #tpu.memory_space<hbm>> -> memref<16x1024xf32, #tpu.memory_space<hbm>>
      tpu.wait_dma2 semaphore(%arg7 : memref<!tpu.dma_semaphore, #tpu.memory_space<semaphore_mem>>) src(%dma_wait3A_983 : memref<16x1024xf32, #tpu.memory_space<hbm>>) dst(%dma_wait3A_981 : memref<16x1024xf32, #tpu.memory_space<vmem_shared>>)
      %jit3A_984 = arith.constant 2 : i32
      %div3A_985 = arith.divsi %arg1, %jit3A_984 : i32
      %sign3A_986 = arith.constant 0 : i32
      %sign3A_987 = arith.cmpi sgt, %arg1, %sign3A_986 : i32
      %sign3A_988 = arith.extui %sign3A_987 : i1 to i32
      %sign3A_989 = arith.constant 0 : i32
      %sign3A_990 = arith.cmpi slt, %arg1, %sign3A_989 : i32
      %sign3A_991 = arith.extui %sign3A_990 : i1 to i32
      %sign3A_992 = arith.subi %sign3A_988, %sign3A_991 : i32
      %sign3A_993 = arith.constant 0 : i32
      %sign3A_994 = arith.cmpi sgt, %jit3A_984, %sign3A_993 : i32
      %sign3A_995 = arith.extui %sign3A_994 : i1 to i32
      %sign3A_996 = arith.constant 0 : i32
      %sign3A_997 = arith.cmpi slt, %jit3A_984, %sign3A_996 : i32
      %sign3A_998 = arith.extui %sign3A_997 : i1 to i32
      %sign3A_999 = arith.subi %sign3A_995, %sign3A_998 : i32
      %ne3A_1000 = arith.cmpi ne, %sign3A_992, %sign3A_999 : i32
      %rem3A_1001 = arith.remsi %arg1, %jit3A_984 : i32
      %ne3A_1002 = arith.constant 0 : i32
      %ne3A_1003 = arith.cmpi ne, %rem3A_1001, %ne3A_1002 : i32
      %and3A_1004 = arith.andi %ne3A_1000, %ne3A_1003 : i1
      %sub3A_1005 = arith.constant 1 : i32
      %sub3A_1006 = arith.subi %div3A_985, %sub3A_1005 : i32
      %select_n3A_1007 = arith.select %and3A_1004, %sub3A_1006, %div3A_985 : i32
      %add3A_1008 = arith.constant 176 : i32
      %add3A_1009 = arith.addi %mul3A_2, %add3A_1008 : i32
      %dma_start3A_1010 = arith.constant 1 : i32
      %dma_start3A_1011 = arith.constant 0 : i32
      %dma_start3A_1012 = tpu.memref_slice %arg3[%add3A_1009, %dma_start3A_1011] : memref<8192x1024xf32, #tpu.memory_space<hbm>> -> memref<16x1024xf32, #tpu.memory_space<hbm>>
      %dma_start3A_1013 = arith.constant 0 : i32
      %dma_start3A_1014 = arith.constant 0 : i32
      %dma_start3A_1015 = tpu.memref_slice %arg5[%select_n3A_1007, %dma_start3A_1010, %dma_start3A_1013, %dma_start3A_1014] : memref<8x2x16x1024xf32, #tpu.memory_space<vmem_shared>> -> memref<1x1x16x1024xf32, #tpu.memory_space<vmem_shared>>
      %dma_start3A_1016 = tpu.memref_squeeze %dma_start3A_1015 : memref<1x1x16x1024xf32, #tpu.memory_space<vmem_shared>> -> memref<16x1024xf32, #tpu.memory_space<vmem_shared>>
      tpu.enqueue_dma source(%dma_start3A_1016 : memref<16x1024xf32, #tpu.memory_space<vmem_shared>>) target(%dma_start3A_1012 : memref<16x1024xf32, #tpu.memory_space<hbm>>) target_semaphore(%arg10 : memref<!tpu.dma_semaphore, #tpu.memory_space<semaphore_mem>>)
      %dma_wait3A_1017 = arith.constant 1 : i32
      %dma_wait3A_1018 = arith.constant 0 : i32
      %dma_wait3A_1019 = tpu.memref_slice %arg3[%add3A_1009, %dma_wait3A_1018] : memref<8192x1024xf32, #tpu.memory_space<hbm>> -> memref<16x1024xf32, #tpu.memory_space<hbm>>
      %dma_wait3A_1020 = arith.constant 0 : i32
      %dma_wait3A_1021 = arith.constant 0 : i32
      %dma_wait3A_1022 = tpu.memref_slice %arg5[%select_n3A_1007, %dma_wait3A_1017, %dma_wait3A_1020, %dma_wait3A_1021] : memref<8x2x16x1024xf32, #tpu.memory_space<vmem_shared>> -> memref<1x1x16x1024xf32, #tpu.memory_space<vmem_shared>>
      %dma_wait3A_1023 = tpu.memref_squeeze %dma_wait3A_1022 : memref<1x1x16x1024xf32, #tpu.memory_space<vmem_shared>> -> memref<16x1024xf32, #tpu.memory_space<vmem_shared>>
      tpu.wait_dma2 semaphore(%arg10 : memref<!tpu.dma_semaphore, #tpu.memory_space<semaphore_mem>>) src(%dma_wait3A_1023 : memref<16x1024xf32, #tpu.memory_space<vmem_shared>>) dst(%dma_wait3A_1019 : memref<16x1024xf32, #tpu.memory_space<hbm>>)
      %add3A_1024 = arith.constant 208 : i32
      %add3A_1025 = arith.addi %mul3A_2, %add3A_1024 : i32
      %jit3A_1026 = arith.constant 2 : i32
      %div3A_1027 = arith.divsi %arg1, %jit3A_1026 : i32
      %sign3A_1028 = arith.constant 0 : i32
      %sign3A_1029 = arith.cmpi sgt, %arg1, %sign3A_1028 : i32
      %sign3A_1030 = arith.extui %sign3A_1029 : i1 to i32
      %sign3A_1031 = arith.constant 0 : i32
      %sign3A_1032 = arith.cmpi slt, %arg1, %sign3A_1031 : i32
      %sign3A_1033 = arith.extui %sign3A_1032 : i1 to i32
      %sign3A_1034 = arith.subi %sign3A_1030, %sign3A_1033 : i32
      %sign3A_1035 = arith.constant 0 : i32
      %sign3A_1036 = arith.cmpi sgt, %jit3A_1026, %sign3A_1035 : i32
      %sign3A_1037 = arith.extui %sign3A_1036 : i1 to i32
      %sign3A_1038 = arith.constant 0 : i32
      %sign3A_1039 = arith.cmpi slt, %jit3A_1026, %sign3A_1038 : i32
      %sign3A_1040 = arith.extui %sign3A_1039 : i1 to i32
      %sign3A_1041 = arith.subi %sign3A_1037, %sign3A_1040 : i32
      %ne3A_1042 = arith.cmpi ne, %sign3A_1034, %sign3A_1041 : i32
      %rem3A_1043 = arith.remsi %arg1, %jit3A_1026 : i32
      %ne3A_1044 = arith.constant 0 : i32
      %ne3A_1045 = arith.cmpi ne, %rem3A_1043, %ne3A_1044 : i32
      %and3A_1046 = arith.andi %ne3A_1042, %ne3A_1045 : i1
      %sub3A_1047 = arith.constant 1 : i32
      %sub3A_1048 = arith.subi %div3A_1027, %sub3A_1047 : i32
      %select_n3A_1049 = arith.select %and3A_1046, %sub3A_1048, %div3A_1027 : i32
      %dma_start3A_1050 = arith.constant 1 : i32
      %dma_start3A_1051 = arith.constant 0 : i32
      %dma_start3A_1052 = arith.constant 0 : i32
      %dma_start3A_1053 = tpu.memref_slice %arg5[%select_n3A_1049, %dma_start3A_1050, %dma_start3A_1051, %dma_start3A_1052] : memref<8x2x16x1024xf32, #tpu.memory_space<vmem_shared>> -> memref<1x1x16x1024xf32, #tpu.memory_space<vmem_shared>>
      %dma_start3A_1054 = tpu.memref_squeeze %dma_start3A_1053 : memref<1x1x16x1024xf32, #tpu.memory_space<vmem_shared>> -> memref<16x1024xf32, #tpu.memory_space<vmem_shared>>
      %dma_start3A_1055 = arith.constant 0 : i32
      %dma_start3A_1056 = tpu.memref_slice %arg2[%add3A_1025, %dma_start3A_1055] : memref<8192x1024xf32, #tpu.memory_space<hbm>> -> memref<16x1024xf32, #tpu.memory_space<hbm>>
      tpu.enqueue_dma source(%dma_start3A_1056 : memref<16x1024xf32, #tpu.memory_space<hbm>>) target(%dma_start3A_1054 : memref<16x1024xf32, #tpu.memory_space<vmem_shared>>) target_semaphore(%arg7 : memref<!tpu.dma_semaphore, #tpu.memory_space<semaphore_mem>>)
      %dma_wait3A_1057 = arith.constant 0 : i32
      %dma_wait3A_1058 = arith.constant 0 : i32
      %dma_wait3A_1059 = arith.constant 0 : i32
      %dma_wait3A_1060 = tpu.memref_slice %arg5[%select_n3A_969, %dma_wait3A_1057, %dma_wait3A_1058, %dma_wait3A_1059] : memref<8x2x16x1024xf32, #tpu.memory_space<vmem_shared>> -> memref<1x1x16x1024xf32, #tpu.memory_space<vmem_shared>>
      %dma_wait3A_1061 = tpu.memref_squeeze %dma_wait3A_1060 : memref<1x1x16x1024xf32, #tpu.memory_space<vmem_shared>> -> memref<16x1024xf32, #tpu.memory_space<vmem_shared>>
      %dma_wait3A_1062 = arith.constant 0 : i32
      %dma_wait3A_1063 = tpu.memref_slice %arg2[%add3A_945, %dma_wait3A_1062] : memref<8192x1024xf32, #tpu.memory_space<hbm>> -> memref<16x1024xf32, #tpu.memory_space<hbm>>
      tpu.wait_dma2 semaphore(%arg6 : memref<!tpu.dma_semaphore, #tpu.memory_space<semaphore_mem>>) src(%dma_wait3A_1063 : memref<16x1024xf32, #tpu.memory_space<hbm>>) dst(%dma_wait3A_1061 : memref<16x1024xf32, #tpu.memory_space<vmem_shared>>)
      %jit3A_1064 = arith.constant 2 : i32
      %div3A_1065 = arith.divsi %arg1, %jit3A_1064 : i32
      %sign3A_1066 = arith.constant 0 : i32
      %sign3A_1067 = arith.cmpi sgt, %arg1, %sign3A_1066 : i32
      %sign3A_1068 = arith.extui %sign3A_1067 : i1 to i32
      %sign3A_1069 = arith.constant 0 : i32
      %sign3A_1070 = arith.cmpi slt, %arg1, %sign3A_1069 : i32
      %sign3A_1071 = arith.extui %sign3A_1070 : i1 to i32
      %sign3A_1072 = arith.subi %sign3A_1068, %sign3A_1071 : i32
      %sign3A_1073 = arith.constant 0 : i32
      %sign3A_1074 = arith.cmpi sgt, %jit3A_1064, %sign3A_1073 : i32
      %sign3A_1075 = arith.extui %sign3A_1074 : i1 to i32
      %sign3A_1076 = arith.constant 0 : i32
      %sign3A_1077 = arith.cmpi slt, %jit3A_1064, %sign3A_1076 : i32
      %sign3A_1078 = arith.extui %sign3A_1077 : i1 to i32
      %sign3A_1079 = arith.subi %sign3A_1075, %sign3A_1078 : i32
      %ne3A_1080 = arith.cmpi ne, %sign3A_1072, %sign3A_1079 : i32
      %rem3A_1081 = arith.remsi %arg1, %jit3A_1064 : i32
      %ne3A_1082 = arith.constant 0 : i32
      %ne3A_1083 = arith.cmpi ne, %rem3A_1081, %ne3A_1082 : i32
      %and3A_1084 = arith.andi %ne3A_1080, %ne3A_1083 : i1
      %sub3A_1085 = arith.constant 1 : i32
      %sub3A_1086 = arith.subi %div3A_1065, %sub3A_1085 : i32
      %select_n3A_1087 = arith.select %and3A_1084, %sub3A_1086, %div3A_1065 : i32
      %add3A_1088 = arith.constant 192 : i32
      %add3A_1089 = arith.addi %mul3A_2, %add3A_1088 : i32
      %dma_start3A_1090 = arith.constant 0 : i32
      %dma_start3A_1091 = arith.constant 0 : i32
      %dma_start3A_1092 = tpu.memref_slice %arg3[%add3A_1089, %dma_start3A_1091] : memref<8192x1024xf32, #tpu.memory_space<hbm>> -> memref<16x1024xf32, #tpu.memory_space<hbm>>
      %dma_start3A_1093 = arith.constant 0 : i32
      %dma_start3A_1094 = arith.constant 0 : i32
      %dma_start3A_1095 = tpu.memref_slice %arg5[%select_n3A_1087, %dma_start3A_1090, %dma_start3A_1093, %dma_start3A_1094] : memref<8x2x16x1024xf32, #tpu.memory_space<vmem_shared>> -> memref<1x1x16x1024xf32, #tpu.memory_space<vmem_shared>>
      %dma_start3A_1096 = tpu.memref_squeeze %dma_start3A_1095 : memref<1x1x16x1024xf32, #tpu.memory_space<vmem_shared>> -> memref<16x1024xf32, #tpu.memory_space<vmem_shared>>
      tpu.enqueue_dma source(%dma_start3A_1096 : memref<16x1024xf32, #tpu.memory_space<vmem_shared>>) target(%dma_start3A_1092 : memref<16x1024xf32, #tpu.memory_space<hbm>>) target_semaphore(%arg9 : memref<!tpu.dma_semaphore, #tpu.memory_space<semaphore_mem>>)
      %dma_wait3A_1097 = arith.constant 0 : i32
      %dma_wait3A_1098 = arith.constant 0 : i32
      %dma_wait3A_1099 = tpu.memref_slice %arg3[%add3A_1089, %dma_wait3A_1098] : memref<8192x1024xf32, #tpu.memory_space<hbm>> -> memref<16x1024xf32, #tpu.memory_space<hbm>>
      %dma_wait3A_1100 = arith.constant 0 : i32
      %dma_wait3A_1101 = arith.constant 0 : i32
      %dma_wait3A_1102 = tpu.memref_slice %arg5[%select_n3A_1087, %dma_wait3A_1097, %dma_wait3A_1100, %dma_wait3A_1101] : memref<8x2x16x1024xf32, #tpu.memory_space<vmem_shared>> -> memref<1x1x16x1024xf32, #tpu.memory_space<vmem_shared>>
      %dma_wait3A_1103 = tpu.memref_squeeze %dma_wait3A_1102 : memref<1x1x16x1024xf32, #tpu.memory_space<vmem_shared>> -> memref<16x1024xf32, #tpu.memory_space<vmem_shared>>
      tpu.wait_dma2 semaphore(%arg9 : memref<!tpu.dma_semaphore, #tpu.memory_space<semaphore_mem>>) src(%dma_wait3A_1103 : memref<16x1024xf32, #tpu.memory_space<vmem_shared>>) dst(%dma_wait3A_1099 : memref<16x1024xf32, #tpu.memory_space<hbm>>)
      %add3A_1104 = arith.constant 224 : i32
      %add3A_1105 = arith.addi %mul3A_2, %add3A_1104 : i32
      %jit3A_1106 = arith.constant 2 : i32
      %div3A_1107 = arith.divsi %arg1, %jit3A_1106 : i32
      %sign3A_1108 = arith.constant 0 : i32
      %sign3A_1109 = arith.cmpi sgt, %arg1, %sign3A_1108 : i32
      %sign3A_1110 = arith.extui %sign3A_1109 : i1 to i32
      %sign3A_1111 = arith.constant 0 : i32
      %sign3A_1112 = arith.cmpi slt, %arg1, %sign3A_1111 : i32
      %sign3A_1113 = arith.extui %sign3A_1112 : i1 to i32
      %sign3A_1114 = arith.subi %sign3A_1110, %sign3A_1113 : i32
      %sign3A_1115 = arith.constant 0 : i32
      %sign3A_1116 = arith.cmpi sgt, %jit3A_1106, %sign3A_1115 : i32
      %sign3A_1117 = arith.extui %sign3A_1116 : i1 to i32
      %sign3A_1118 = arith.constant 0 : i32
      %sign3A_1119 = arith.cmpi slt, %jit3A_1106, %sign3A_1118 : i32
      %sign3A_1120 = arith.extui %sign3A_1119 : i1 to i32
      %sign3A_1121 = arith.subi %sign3A_1117, %sign3A_1120 : i32
      %ne3A_1122 = arith.cmpi ne, %sign3A_1114, %sign3A_1121 : i32
      %rem3A_1123 = arith.remsi %arg1, %jit3A_1106 : i32
      %ne3A_1124 = arith.constant 0 : i32
      %ne3A_1125 = arith.cmpi ne, %rem3A_1123, %ne3A_1124 : i32
      %and3A_1126 = arith.andi %ne3A_1122, %ne3A_1125 : i1
      %sub3A_1127 = arith.constant 1 : i32
      %sub3A_1128 = arith.subi %div3A_1107, %sub3A_1127 : i32
      %select_n3A_1129 = arith.select %and3A_1126, %sub3A_1128, %div3A_1107 : i32
      %dma_start3A_1130 = arith.constant 0 : i32
      %dma_start3A_1131 = arith.constant 0 : i32
      %dma_start3A_1132 = arith.constant 0 : i32
      %dma_start3A_1133 = tpu.memref_slice %arg5[%select_n3A_1129, %dma_start3A_1130, %dma_start3A_1131, %dma_start3A_1132] : memref<8x2x16x1024xf32, #tpu.memory_space<vmem_shared>> -> memref<1x1x16x1024xf32, #tpu.memory_space<vmem_shared>>
      %dma_start3A_1134 = tpu.memref_squeeze %dma_start3A_1133 : memref<1x1x16x1024xf32, #tpu.memory_space<vmem_shared>> -> memref<16x1024xf32, #tpu.memory_space<vmem_shared>>
      %dma_start3A_1135 = arith.constant 0 : i32
      %dma_start3A_1136 = tpu.memref_slice %arg2[%add3A_1105, %dma_start3A_1135] : memref<8192x1024xf32, #tpu.memory_space<hbm>> -> memref<16x1024xf32, #tpu.memory_space<hbm>>
      tpu.enqueue_dma source(%dma_start3A_1136 : memref<16x1024xf32, #tpu.memory_space<hbm>>) target(%dma_start3A_1134 : memref<16x1024xf32, #tpu.memory_space<vmem_shared>>) target_semaphore(%arg6 : memref<!tpu.dma_semaphore, #tpu.memory_space<semaphore_mem>>)
      %dma_wait3A_1137 = arith.constant 1 : i32
      %dma_wait3A_1138 = arith.constant 0 : i32
      %dma_wait3A_1139 = arith.constant 0 : i32
      %dma_wait3A_1140 = tpu.memref_slice %arg5[%select_n3A_1049, %dma_wait3A_1137, %dma_wait3A_1138, %dma_wait3A_1139] : memref<8x2x16x1024xf32, #tpu.memory_space<vmem_shared>> -> memref<1x1x16x1024xf32, #tpu.memory_space<vmem_shared>>
      %dma_wait3A_1141 = tpu.memref_squeeze %dma_wait3A_1140 : memref<1x1x16x1024xf32, #tpu.memory_space<vmem_shared>> -> memref<16x1024xf32, #tpu.memory_space<vmem_shared>>
      %dma_wait3A_1142 = arith.constant 0 : i32
      %dma_wait3A_1143 = tpu.memref_slice %arg2[%add3A_1025, %dma_wait3A_1142] : memref<8192x1024xf32, #tpu.memory_space<hbm>> -> memref<16x1024xf32, #tpu.memory_space<hbm>>
      tpu.wait_dma2 semaphore(%arg7 : memref<!tpu.dma_semaphore, #tpu.memory_space<semaphore_mem>>) src(%dma_wait3A_1143 : memref<16x1024xf32, #tpu.memory_space<hbm>>) dst(%dma_wait3A_1141 : memref<16x1024xf32, #tpu.memory_space<vmem_shared>>)
      %jit3A_1144 = arith.constant 2 : i32
      %div3A_1145 = arith.divsi %arg1, %jit3A_1144 : i32
      %sign3A_1146 = arith.constant 0 : i32
      %sign3A_1147 = arith.cmpi sgt, %arg1, %sign3A_1146 : i32
      %sign3A_1148 = arith.extui %sign3A_1147 : i1 to i32
      %sign3A_1149 = arith.constant 0 : i32
      %sign3A_1150 = arith.cmpi slt, %arg1, %sign3A_1149 : i32
      %sign3A_1151 = arith.extui %sign3A_1150 : i1 to i32
      %sign3A_1152 = arith.subi %sign3A_1148, %sign3A_1151 : i32
      %sign3A_1153 = arith.constant 0 : i32
      %sign3A_1154 = arith.cmpi sgt, %jit3A_1144, %sign3A_1153 : i32
      %sign3A_1155 = arith.extui %sign3A_1154 : i1 to i32
      %sign3A_1156 = arith.constant 0 : i32
      %sign3A_1157 = arith.cmpi slt, %jit3A_1144, %sign3A_1156 : i32
      %sign3A_1158 = arith.extui %sign3A_1157 : i1 to i32
      %sign3A_1159 = arith.subi %sign3A_1155, %sign3A_1158 : i32
      %ne3A_1160 = arith.cmpi ne, %sign3A_1152, %sign3A_1159 : i32
      %rem3A_1161 = arith.remsi %arg1, %jit3A_1144 : i32
      %ne3A_1162 = arith.constant 0 : i32
      %ne3A_1163 = arith.cmpi ne, %rem3A_1161, %ne3A_1162 : i32
      %and3A_1164 = arith.andi %ne3A_1160, %ne3A_1163 : i1
      %sub3A_1165 = arith.constant 1 : i32
      %sub3A_1166 = arith.subi %div3A_1145, %sub3A_1165 : i32
      %select_n3A_1167 = arith.select %and3A_1164, %sub3A_1166, %div3A_1145 : i32
      %add3A_1168 = arith.constant 208 : i32
      %add3A_1169 = arith.addi %mul3A_2, %add3A_1168 : i32
      %dma_start3A_1170 = arith.constant 1 : i32
      %dma_start3A_1171 = arith.constant 0 : i32
      %dma_start3A_1172 = tpu.memref_slice %arg3[%add3A_1169, %dma_start3A_1171] : memref<8192x1024xf32, #tpu.memory_space<hbm>> -> memref<16x1024xf32, #tpu.memory_space<hbm>>
      %dma_start3A_1173 = arith.constant 0 : i32
      %dma_start3A_1174 = arith.constant 0 : i32
      %dma_start3A_1175 = tpu.memref_slice %arg5[%select_n3A_1167, %dma_start3A_1170, %dma_start3A_1173, %dma_start3A_1174] : memref<8x2x16x1024xf32, #tpu.memory_space<vmem_shared>> -> memref<1x1x16x1024xf32, #tpu.memory_space<vmem_shared>>
      %dma_start3A_1176 = tpu.memref_squeeze %dma_start3A_1175 : memref<1x1x16x1024xf32, #tpu.memory_space<vmem_shared>> -> memref<16x1024xf32, #tpu.memory_space<vmem_shared>>
      tpu.enqueue_dma source(%dma_start3A_1176 : memref<16x1024xf32, #tpu.memory_space<vmem_shared>>) target(%dma_start3A_1172 : memref<16x1024xf32, #tpu.memory_space<hbm>>) target_semaphore(%arg10 : memref<!tpu.dma_semaphore, #tpu.memory_space<semaphore_mem>>)
      %dma_wait3A_1177 = arith.constant 1 : i32
      %dma_wait3A_1178 = arith.constant 0 : i32
      %dma_wait3A_1179 = tpu.memref_slice %arg3[%add3A_1169, %dma_wait3A_1178] : memref<8192x1024xf32, #tpu.memory_space<hbm>> -> memref<16x1024xf32, #tpu.memory_space<hbm>>
      %dma_wait3A_1180 = arith.constant 0 : i32
      %dma_wait3A_1181 = arith.constant 0 : i32
      %dma_wait3A_1182 = tpu.memref_slice %arg5[%select_n3A_1167, %dma_wait3A_1177, %dma_wait3A_1180, %dma_wait3A_1181] : memref<8x2x16x1024xf32, #tpu.memory_space<vmem_shared>> -> memref<1x1x16x1024xf32, #tpu.memory_space<vmem_shared>>
      %dma_wait3A_1183 = tpu.memref_squeeze %dma_wait3A_1182 : memref<1x1x16x1024xf32, #tpu.memory_space<vmem_shared>> -> memref<16x1024xf32, #tpu.memory_space<vmem_shared>>
      tpu.wait_dma2 semaphore(%arg10 : memref<!tpu.dma_semaphore, #tpu.memory_space<semaphore_mem>>) src(%dma_wait3A_1183 : memref<16x1024xf32, #tpu.memory_space<vmem_shared>>) dst(%dma_wait3A_1179 : memref<16x1024xf32, #tpu.memory_space<hbm>>)
      %add3A_1184 = arith.constant 240 : i32
      %add3A_1185 = arith.addi %mul3A_2, %add3A_1184 : i32
      %jit3A_1186 = arith.constant 2 : i32
      %div3A_1187 = arith.divsi %arg1, %jit3A_1186 : i32
      %sign3A_1188 = arith.constant 0 : i32
      %sign3A_1189 = arith.cmpi sgt, %arg1, %sign3A_1188 : i32
      %sign3A_1190 = arith.extui %sign3A_1189 : i1 to i32
      %sign3A_1191 = arith.constant 0 : i32
      %sign3A_1192 = arith.cmpi slt, %arg1, %sign3A_1191 : i32
      %sign3A_1193 = arith.extui %sign3A_1192 : i1 to i32
      %sign3A_1194 = arith.subi %sign3A_1190, %sign3A_1193 : i32
      %sign3A_1195 = arith.constant 0 : i32
      %sign3A_1196 = arith.cmpi sgt, %jit3A_1186, %sign3A_1195 : i32
      %sign3A_1197 = arith.extui %sign3A_1196 : i1 to i32
      %sign3A_1198 = arith.constant 0 : i32
      %sign3A_1199 = arith.cmpi slt, %jit3A_1186, %sign3A_1198 : i32
      %sign3A_1200 = arith.extui %sign3A_1199 : i1 to i32
      %sign3A_1201 = arith.subi %sign3A_1197, %sign3A_1200 : i32
      %ne3A_1202 = arith.cmpi ne, %sign3A_1194, %sign3A_1201 : i32
      %rem3A_1203 = arith.remsi %arg1, %jit3A_1186 : i32
      %ne3A_1204 = arith.constant 0 : i32
      %ne3A_1205 = arith.cmpi ne, %rem3A_1203, %ne3A_1204 : i32
      %and3A_1206 = arith.andi %ne3A_1202, %ne3A_1205 : i1
      %sub3A_1207 = arith.constant 1 : i32
      %sub3A_1208 = arith.subi %div3A_1187, %sub3A_1207 : i32
      %select_n3A_1209 = arith.select %and3A_1206, %sub3A_1208, %div3A_1187 : i32
      %dma_start3A_1210 = arith.constant 1 : i32
      %dma_start3A_1211 = arith.constant 0 : i32
      %dma_start3A_1212 = arith.constant 0 : i32
      %dma_start3A_1213 = tpu.memref_slice %arg5[%select_n3A_1209, %dma_start3A_1210, %dma_start3A_1211, %dma_start3A_1212] : memref<8x2x16x1024xf32, #tpu.memory_space<vmem_shared>> -> memref<1x1x16x1024xf32, #tpu.memory_space<vmem_shared>>
      %dma_start3A_1214 = tpu.memref_squeeze %dma_start3A_1213 : memref<1x1x16x1024xf32, #tpu.memory_space<vmem_shared>> -> memref<16x1024xf32, #tpu.memory_space<vmem_shared>>
      %dma_start3A_1215 = arith.constant 0 : i32
      %dma_start3A_1216 = tpu.memref_slice %arg2[%add3A_1185, %dma_start3A_1215] : memref<8192x1024xf32, #tpu.memory_space<hbm>> -> memref<16x1024xf32, #tpu.memory_space<hbm>>
      tpu.enqueue_dma source(%dma_start3A_1216 : memref<16x1024xf32, #tpu.memory_space<hbm>>) target(%dma_start3A_1214 : memref<16x1024xf32, #tpu.memory_space<vmem_shared>>) target_semaphore(%arg7 : memref<!tpu.dma_semaphore, #tpu.memory_space<semaphore_mem>>)
      %dma_wait3A_1217 = arith.constant 0 : i32
      %dma_wait3A_1218 = arith.constant 0 : i32
      %dma_wait3A_1219 = arith.constant 0 : i32
      %dma_wait3A_1220 = tpu.memref_slice %arg5[%select_n3A_1129, %dma_wait3A_1217, %dma_wait3A_1218, %dma_wait3A_1219] : memref<8x2x16x1024xf32, #tpu.memory_space<vmem_shared>> -> memref<1x1x16x1024xf32, #tpu.memory_space<vmem_shared>>
      %dma_wait3A_1221 = tpu.memref_squeeze %dma_wait3A_1220 : memref<1x1x16x1024xf32, #tpu.memory_space<vmem_shared>> -> memref<16x1024xf32, #tpu.memory_space<vmem_shared>>
      %dma_wait3A_1222 = arith.constant 0 : i32
      %dma_wait3A_1223 = tpu.memref_slice %arg2[%add3A_1105, %dma_wait3A_1222] : memref<8192x1024xf32, #tpu.memory_space<hbm>> -> memref<16x1024xf32, #tpu.memory_space<hbm>>
      tpu.wait_dma2 semaphore(%arg6 : memref<!tpu.dma_semaphore, #tpu.memory_space<semaphore_mem>>) src(%dma_wait3A_1223 : memref<16x1024xf32, #tpu.memory_space<hbm>>) dst(%dma_wait3A_1221 : memref<16x1024xf32, #tpu.memory_space<vmem_shared>>)
      %jit3A_1224 = arith.constant 2 : i32
      %div3A_1225 = arith.divsi %arg1, %jit3A_1224 : i32
      %sign3A_1226 = arith.constant 0 : i32
      %sign3A_1227 = arith.cmpi sgt, %arg1, %sign3A_1226 : i32
      %sign3A_1228 = arith.extui %sign3A_1227 : i1 to i32
      %sign3A_1229 = arith.constant 0 : i32
      %sign3A_1230 = arith.cmpi slt, %arg1, %sign3A_1229 : i32
      %sign3A_1231 = arith.extui %sign3A_1230 : i1 to i32
      %sign3A_1232 = arith.subi %sign3A_1228, %sign3A_1231 : i32
      %sign3A_1233 = arith.constant 0 : i32
      %sign3A_1234 = arith.cmpi sgt, %jit3A_1224, %sign3A_1233 : i32
      %sign3A_1235 = arith.extui %sign3A_1234 : i1 to i32
      %sign3A_1236 = arith.constant 0 : i32
      %sign3A_1237 = arith.cmpi slt, %jit3A_1224, %sign3A_1236 : i32
      %sign3A_1238 = arith.extui %sign3A_1237 : i1 to i32
      %sign3A_1239 = arith.subi %sign3A_1235, %sign3A_1238 : i32
      %ne3A_1240 = arith.cmpi ne, %sign3A_1232, %sign3A_1239 : i32
      %rem3A_1241 = arith.remsi %arg1, %jit3A_1224 : i32
      %ne3A_1242 = arith.constant 0 : i32
      %ne3A_1243 = arith.cmpi ne, %rem3A_1241, %ne3A_1242 : i32
      %and3A_1244 = arith.andi %ne3A_1240, %ne3A_1243 : i1
      %sub3A_1245 = arith.constant 1 : i32
      %sub3A_1246 = arith.subi %div3A_1225, %sub3A_1245 : i32
      %select_n3A_1247 = arith.select %and3A_1244, %sub3A_1246, %div3A_1225 : i32
      %add3A_1248 = arith.constant 224 : i32
      %add3A_1249 = arith.addi %mul3A_2, %add3A_1248 : i32
      %dma_start3A_1250 = arith.constant 0 : i32
      %dma_start3A_1251 = arith.constant 0 : i32
      %dma_start3A_1252 = tpu.memref_slice %arg3[%add3A_1249, %dma_start3A_1251] : memref<8192x1024xf32, #tpu.memory_space<hbm>> -> memref<16x1024xf32, #tpu.memory_space<hbm>>
      %dma_start3A_1253 = arith.constant 0 : i32
      %dma_start3A_1254 = arith.constant 0 : i32
      %dma_start3A_1255 = tpu.memref_slice %arg5[%select_n3A_1247, %dma_start3A_1250, %dma_start3A_1253, %dma_start3A_1254] : memref<8x2x16x1024xf32, #tpu.memory_space<vmem_shared>> -> memref<1x1x16x1024xf32, #tpu.memory_space<vmem_shared>>
      %dma_start3A_1256 = tpu.memref_squeeze %dma_start3A_1255 : memref<1x1x16x1024xf32, #tpu.memory_space<vmem_shared>> -> memref<16x1024xf32, #tpu.memory_space<vmem_shared>>
      tpu.enqueue_dma source(%dma_start3A_1256 : memref<16x1024xf32, #tpu.memory_space<vmem_shared>>) target(%dma_start3A_1252 : memref<16x1024xf32, #tpu.memory_space<hbm>>) target_semaphore(%arg9 : memref<!tpu.dma_semaphore, #tpu.memory_space<semaphore_mem>>)
      %dma_wait3A_1257 = arith.constant 1 : i32
      %dma_wait3A_1258 = arith.constant 0 : i32
      %dma_wait3A_1259 = arith.constant 0 : i32
      %dma_wait3A_1260 = tpu.memref_slice %arg5[%select_n3A_1209, %dma_wait3A_1257, %dma_wait3A_1258, %dma_wait3A_1259] : memref<8x2x16x1024xf32, #tpu.memory_space<vmem_shared>> -> memref<1x1x16x1024xf32, #tpu.memory_space<vmem_shared>>
      %dma_wait3A_1261 = tpu.memref_squeeze %dma_wait3A_1260 : memref<1x1x16x1024xf32, #tpu.memory_space<vmem_shared>> -> memref<16x1024xf32, #tpu.memory_space<vmem_shared>>
      %dma_wait3A_1262 = arith.constant 0 : i32
      %dma_wait3A_1263 = tpu.memref_slice %arg2[%add3A_1185, %dma_wait3A_1262] : memref<8192x1024xf32, #tpu.memory_space<hbm>> -> memref<16x1024xf32, #tpu.memory_space<hbm>>
      tpu.wait_dma2 semaphore(%arg7 : memref<!tpu.dma_semaphore, #tpu.memory_space<semaphore_mem>>) src(%dma_wait3A_1263 : memref<16x1024xf32, #tpu.memory_space<hbm>>) dst(%dma_wait3A_1261 : memref<16x1024xf32, #tpu.memory_space<vmem_shared>>)
      %jit3A_1264 = arith.constant 2 : i32
      %div3A_1265 = arith.divsi %arg1, %jit3A_1264 : i32
      %sign3A_1266 = arith.constant 0 : i32
      %sign3A_1267 = arith.cmpi sgt, %arg1, %sign3A_1266 : i32
      %sign3A_1268 = arith.extui %sign3A_1267 : i1 to i32
      %sign3A_1269 = arith.constant 0 : i32
      %sign3A_1270 = arith.cmpi slt, %arg1, %sign3A_1269 : i32
      %sign3A_1271 = arith.extui %sign3A_1270 : i1 to i32
      %sign3A_1272 = arith.subi %sign3A_1268, %sign3A_1271 : i32
      %sign3A_1273 = arith.constant 0 : i32
      %sign3A_1274 = arith.cmpi sgt, %jit3A_1264, %sign3A_1273 : i32
      %sign3A_1275 = arith.extui %sign3A_1274 : i1 to i32
      %sign3A_1276 = arith.constant 0 : i32
      %sign3A_1277 = arith.cmpi slt, %jit3A_1264, %sign3A_1276 : i32
      %sign3A_1278 = arith.extui %sign3A_1277 : i1 to i32
      %sign3A_1279 = arith.subi %sign3A_1275, %sign3A_1278 : i32
      %ne3A_1280 = arith.cmpi ne, %sign3A_1272, %sign3A_1279 : i32
      %rem3A_1281 = arith.remsi %arg1, %jit3A_1264 : i32
      %ne3A_1282 = arith.constant 0 : i32
      %ne3A_1283 = arith.cmpi ne, %rem3A_1281, %ne3A_1282 : i32
      %and3A_1284 = arith.andi %ne3A_1280, %ne3A_1283 : i1
      %sub3A_1285 = arith.constant 1 : i32
      %sub3A_1286 = arith.subi %div3A_1265, %sub3A_1285 : i32
      %select_n3A_1287 = arith.select %and3A_1284, %sub3A_1286, %div3A_1265 : i32
      %add3A_1288 = arith.constant 240 : i32
      %add3A_1289 = arith.addi %mul3A_2, %add3A_1288 : i32
      %dma_start3A_1290 = arith.constant 1 : i32
      %dma_start3A_1291 = arith.constant 0 : i32
      %dma_start3A_1292 = tpu.memref_slice %arg3[%add3A_1289, %dma_start3A_1291] : memref<8192x1024xf32, #tpu.memory_space<hbm>> -> memref<16x1024xf32, #tpu.memory_space<hbm>>
      %dma_start3A_1293 = arith.constant 0 : i32
      %dma_start3A_1294 = arith.constant 0 : i32
      %dma_start3A_1295 = tpu.memref_slice %arg5[%select_n3A_1287, %dma_start3A_1290, %dma_start3A_1293, %dma_start3A_1294] : memref<8x2x16x1024xf32, #tpu.memory_space<vmem_shared>> -> memref<1x1x16x1024xf32, #tpu.memory_space<vmem_shared>>
      %dma_start3A_1296 = tpu.memref_squeeze %dma_start3A_1295 : memref<1x1x16x1024xf32, #tpu.memory_space<vmem_shared>> -> memref<16x1024xf32, #tpu.memory_space<vmem_shared>>
      tpu.enqueue_dma source(%dma_start3A_1296 : memref<16x1024xf32, #tpu.memory_space<vmem_shared>>) target(%dma_start3A_1292 : memref<16x1024xf32, #tpu.memory_space<hbm>>) target_semaphore(%arg10 : memref<!tpu.dma_semaphore, #tpu.memory_space<semaphore_mem>>)
      %dma_wait3A_1297 = arith.constant 0 : i32
      %dma_wait3A_1298 = arith.constant 0 : i32
      %dma_wait3A_1299 = tpu.memref_slice %arg3[%add3A_1249, %dma_wait3A_1298] : memref<8192x1024xf32, #tpu.memory_space<hbm>> -> memref<16x1024xf32, #tpu.memory_space<hbm>>
      %dma_wait3A_1300 = arith.constant 0 : i32
      %dma_wait3A_1301 = arith.constant 0 : i32
      %dma_wait3A_1302 = tpu.memref_slice %arg5[%select_n3A_1247, %dma_wait3A_1297, %dma_wait3A_1300, %dma_wait3A_1301] : memref<8x2x16x1024xf32, #tpu.memory_space<vmem_shared>> -> memref<1x1x16x1024xf32, #tpu.memory_space<vmem_shared>>
      %dma_wait3A_1303 = tpu.memref_squeeze %dma_wait3A_1302 : memref<1x1x16x1024xf32, #tpu.memory_space<vmem_shared>> -> memref<16x1024xf32, #tpu.memory_space<vmem_shared>>
      tpu.wait_dma2 semaphore(%arg9 : memref<!tpu.dma_semaphore, #tpu.memory_space<semaphore_mem>>) src(%dma_wait3A_1303 : memref<16x1024xf32, #tpu.memory_space<vmem_shared>>) dst(%dma_wait3A_1299 : memref<16x1024xf32, #tpu.memory_space<hbm>>)
      %dma_wait3A_1304 = arith.constant 1 : i32
      %dma_wait3A_1305 = arith.constant 0 : i32
      %dma_wait3A_1306 = tpu.memref_slice %arg3[%add3A_1289, %dma_wait3A_1305] : memref<8192x1024xf32, #tpu.memory_space<hbm>> -> memref<16x1024xf32, #tpu.memory_space<hbm>>
      %dma_wait3A_1307 = arith.constant 0 : i32
      %dma_wait3A_1308 = arith.constant 0 : i32
      %dma_wait3A_1309 = tpu.memref_slice %arg5[%select_n3A_1287, %dma_wait3A_1304, %dma_wait3A_1307, %dma_wait3A_1308] : memref<8x2x16x1024xf32, #tpu.memory_space<vmem_shared>> -> memref<1x1x16x1024xf32, #tpu.memory_space<vmem_shared>>
      %dma_wait3A_1310 = tpu.memref_squeeze %dma_wait3A_1309 : memref<1x1x16x1024xf32, #tpu.memory_space<vmem_shared>> -> memref<16x1024xf32, #tpu.memory_space<vmem_shared>>
      tpu.wait_dma2 semaphore(%arg10 : memref<!tpu.dma_semaphore, #tpu.memory_space<semaphore_mem>>) src(%dma_wait3A_1310 : memref<16x1024xf32, #tpu.memory_space<vmem_shared>>) dst(%dma_wait3A_1306 : memref<16x1024xf32, #tpu.memory_space<hbm>>)
    } else {
    }
    return
  }
}

</mosaic_0001>

<sc_bundles>
// kernel: _copy_rows.3.cloned.1.call-start
scs
__scs_entry_jumppad:
0x0: {  	(pc) =	sbr.rel $0x88, $3  }
0x1: {  	(tag) =	ssettag $0x0;
	lr =	simm.s32 $0x1  }
0x2: {  	[smem:$0x3FA0] =	sst lr;
	_ =	strace $0xD0000000  }
0x3: {  	_ = 	snop  }
0x4: {  	_ = 	snop  }
0x5: {  	_ = 	snop  }
0x6: {  	_ = 	snop  }
0x7: {  	_ = 	snop  }
__scs_overlays_trampoline_lowered:
0x8: {  	[smem:$0x3FAF] =	sst s0  }
0x9: {  	[smem:$0x3FB0] =	sst s1  }
0xa: {  	[smem:$0x3FB1] =	sst s2  }
0xb: {  	[smem:$0x3FB2] =	sst s3  }
0xc: {  	[smem:$0x3FB3] =	sst s4  }
0xd: {  	[smem:$0x3FB4] =	sst s5  }
0xe: {  	[smem:$0x3FB5] =	sst s6  }
0xf: {  	[smem:$0x3FB6] =	sst s7  }
0x10: {  	[smem:$0x3FB7] =	sst s8  }
0x11: {  	[smem:$0x3FB8] =	sst s9;
	s0 =	simm.s32 @!p0 $0x0  }
0x12: {  	s1 =	sld [smem:$0x3F9E];
	s0 =	simm.s32 @p0 $0x1  }
0x13: {  	[smem:$0x3FB9] =	sst s0;
	s0 =	simm.s32 @!p1 $0x0  }
0x14: {  	s2 =	sld [smem:$0x3F9D];
	s0 =	simm.s32 @p1 $0x1  }
0x15: {  	[smem:$0x3FBA] =	sst s0;
	s0 =	simm.s32 @!p2 $0x0  }
0x16: {  	s3 =	sld [smem:$0x3FDB];
	s0 =	simm.s32 @p2 $0x1  }
0x17: {  	s4 =	simm.s32 $0x1BF5;
	[smem:$0x3FBC] =	sst s0  }
0x18: {  	s0 =	sld [smem:$0x3F9F];
	_ =	swait.ge [sflag:s4], $0x0  }
0x19: {  	s7 =	sld [smem:$0x3FA0]  }
0x1a: {  	s8 =	sadd.s32 $0xFFFFE003, lr  }
0x1b: {  	s9 =	sadd.s32 $0xFFFFFEF7, lr;
	s5 =	simm.s32 $0xFFFFFFFF;
	p2 =	slt.u32 s8, $0xFFFFF086  }
0x1c: {  	p1 =	slt.u32 s9, $0xF7A;
	s5 =	simm.s32 @!p2 $0x0  }
0x1d: {  	s5 =	simm.s32 @p1 $0x1;
	p0 =	seq.s32 s7, s2  }
0x1e: {  	s7 =	smul.u32 @!p0 $0xF7A, s2;
	p2 =	seq.s32 @!p0 s5, $0x0  }
0x1f: {  	s9 =	smul.u32 $0xF7A, s1;
	s8 =	simm.s32 @!p0 $0x1BF5;
	p2 =	por !p2, p0  }
0x20: {  	[sflag:s8] =	ssyncset.s32 @!p0 $0xFFFFF086;
	s6 =	sadd.s32 @!p0 s3, s7;
	s7 =	simm.s32 @!p0 $0x108  }
0x21: {  	s3 =	sadd.s32 s3, s9;
	s6 =	sadd.s32 @!p0 $0x88, s6;
	s7 =	simm.s32 @p2 $0x1082  }
0x22: {  	[simem:s7], [sflag:s8] =	dma.local @!p0 [hbm:s6], $0xF7A  }
0x23: {  	s9 =	sor.u32 $0xD0000000, s2;
	s6 =	simm.s32 $0x108;
	_ =	swait.ge @!p0 [sflag:s8], $0x0  }
0x24: {  	s3 =	sadd.s32 $0x88, s3;
	s6 =	simm.s32 @!p1 $0x1082;
	[sflag:s4] =	ssyncset.s32 $0xFFFFF086  }
0x25: {  	[simem:s6], [sflag:s4] =	dma.local [hbm:s3], $0xF7A  }
0x26: {  	[smem:$0x3FA0] =	sst s1;
	(tag) =	ssettag s2;
	_ =	strace s9  }
0x27: {  	s1 =	sld [smem:$0x3FB0]  }
0x28: {  	s2 =	sld [smem:$0x3FB1]  }
0x29: {  	s4 =	sld [smem:$0x3FB3]  }
0x2a: {  	p0 =	seq.s32 s5, $0x0;
	s5 =	sld [smem:$0x3FB4]  }
0x2b: {  	s6 =	sld [smem:$0x3FB5]  }
0x2c: {  	s7 =	sld [smem:$0x3FB6]  }
0x2d: {  	s3 =	simm.s32 $0x108;
	s8 =	sld [smem:$0x3FB7]  }
0x2e: {  	s3 =	simm.s32 @!p0 $0x1082;
	s9 =	sld [smem:$0x3FB8]  }
0x2f: {  	lr =	sadd.s32 s0, s3;
	s0 =	sld [smem:$0x3FAF]  }
0x30: {  	s3 =	sld [smem:$0x3FB2]  }
0x31: {  	[smem:$0x3FBB] =	sst s10  }
0x32: {  	s10 =	sld [smem:$0x3FB9];
	_ =	sdelay $0x3  }
0x33: {  	p0 =	seq.s32 s10, $0x1;
	s10 =	sld [smem:$0x3FBB];
	_ =	sdelay $0x3  }
0x34: {  	[smem:$0x3FBB] =	sst s10  }
0x35: {  	s10 =	sld [smem:$0x3FBA];
	_ =	sdelay $0x3  }
0x36: {  	p1 =	seq.s32 s10, $0x1;
	s10 =	sld [smem:$0x3FBB];
	_ =	sdelay $0x3  }
0x37: {  	[smem:$0x3FBB] =	sst s10  }
0x38: {  	s10 =	sld [smem:$0x3FBC]  }
0x39: {  	_ = 	snop;
	(pc) =	sbr.ind lr, $3  }
0x3a: {  	_ = 	snop  }
0x3b: {  	_ = 	snop  }
0x3c: {  	p2 =	seq.s32 s10, $0x1;
	s10 =	sld [smem:$0x3FBB]  }
0x3d: {  	_ =	shalt  }
0x3e: {  	_ =	shalt  }
0x3f: {  	_ =	shalt  }
0x40: {  	_ =	shalt  }
0x41: {  	_ =	shalt  }
0x42: {  	_ =	shalt  }
0x43: {  	_ =	shalt  }
0x44: {  	_ =	shalt  }
0x45: {  	_ =	shalt  }
0x46: {  	_ =	shalt  }
0x47: {  	_ =	shalt  }
0x48: {  	_ =	shalt  }
0x49: {  	_ =	shalt  }
0x4a: {  	_ =	shalt  }
0x4b: {  	_ =	shalt  }
0x4c: {  	_ =	shalt  }
0x4d: {  	_ =	shalt  }
0x4e: {  	_ =	shalt  }
0x4f: {  	_ =	shalt  }
0x50: {  	_ =	shalt  }
0x51: {  	_ =	shalt  }
0x52: {  	_ =	shalt  }
0x53: {  	_ =	shalt  }
0x54: {  	_ =	shalt  }
0x55: {  	_ =	shalt  }
0x56: {  	_ =	shalt  }
0x57: {  	_ =	shalt  }
0x58: {  	_ =	shalt  }
0x59: {  	_ =	shalt  }
0x5a: {  	_ =	shalt  }
0x5b: {  	_ =	shalt  }
0x5c: {  	_ =	shalt  }
0x5d: {  	_ =	shalt  }
0x5e: {  	_ =	shalt  }
0x5f: {  	_ =	shalt  }
0x60: {  	_ =	shalt  }
0x61: {  	_ =	shalt  }
0x62: {  	_ =	shalt  }
0x63: {  	_ =	shalt  }
0x64: {  	_ =	shalt  }
0x65: {  	_ =	shalt  }
0x66: {  	_ =	shalt  }
0x67: {  	_ =	shalt  }
0x68: {  	_ =	shalt  }
0x69: {  	_ =	shalt  }
0x6a: {  	_ =	shalt  }
0x6b: {  	_ =	shalt  }
0x6c: {  	_ =	shalt  }
0x6d: {  	_ =	shalt  }
0x6e: {  	_ =	shalt  }
0x6f: {  	_ =	shalt  }
0x70: {  	_ =	shalt  }
0x71: {  	_ =	shalt  }
0x72: {  	_ =	shalt  }
0x73: {  	_ =	shalt  }
0x74: {  	_ =	shalt  }
0x75: {  	_ =	shalt  }
0x76: {  	_ =	shalt  }
0x77: {  	_ =	shalt  }
0x78: {  	_ =	shalt  }
0x79: {  	_ =	shalt  }
0x7a: {  	_ =	shalt  }
0x7b: {  	_ =	shalt  }
0x7c: {  	_ =	shalt  }
0x7d: {  	_ =	shalt  }
0x7e: {  	_ =	shalt  }
0x7f: {  	_ =	shalt  }
0x80: {  	_ =	shalt  }
0x81: {  	_ =	shalt  }
0x82: {  	_ =	shalt  }
0x83: {  	_ =	shalt  }
0x84: {  	_ =	shalt  }
0x85: {  	_ =	shalt  }
0x86: {  	_ =	shalt  }
0x87: {  	_ =	shalt  }
.Lfunc_end0:
.L_simem_size_0:
called_computation_lowered:
.L_overlay_start_0:
0x88: {  	s2 =	sld [smem:$0x3FD9]  }
0x89: {  	s3 =	sld [smem:$0x3FFE];
	_ =	sdelay $0x1  }
0x8a: {  	s1 =	srdreg.scid  }
0x8b: {  	s0 =	sand.u32 $0x1, s1  }
0x8c: {  	s18 =	sshll.u32 s0, $0xA;
	s2 =	sadd.s32 s3, s2  }
0x8d: {  	s2 =	sadd.s32 s2, s18  }
0x8e: {  	[smem:$0x3FC7] =	sst s2  }
0x8f: {  	_ = 	snop  }
0x90: {  	s2 =	sld [smem:$0x3FC9]  }
0x91: {  	s19 =	sld [smem:$0x3FD0];
	(tm) =	ssettm $0x1  }
0x92: {  	s4 =	sld [smem:$0x3FFB];
	_ =	sdelay $0x3  }
0x93: {  	_ =	strace s4  }
0x94: {  	s4 =	sld [smem:$0x3FFC];
	_ =	sdelay $0x3  }
0x95: {  	_ =	strace s4  }
0x96: {  	s4 =	sld [smem:$0x3FFD];
	_ =	sdelay $0x3  }
0x97: {  	_ =	strace s4  }
0x98: {  	_ =	strace $0x8FFFFFFF  }
0x99: {  	s20 =	sld [smem:$0x3FDB];
	_ =	sdelay $0x1  }
0x9a: {  	s5 =	simm.s32 $_scs_section_size  }
0x9b: {  	s6 =	simm.s32 $_size__tile_overlayer_lowered;
	s7 =	simm.s32 $_tile_overlayer_lowered  }
0x9c: {  	s23 =	simm.s32 $0x1BFF;
	s22 =	sshll.u32 s7, $0x1;
	s4 =	sadd.s32 s5, s20  }
0x9d: {  	s8 =	simm.s32 $0x0;
	s21 =	sshll.u32 s6, $0x1;
	s6 =	sadd.s32 s22, s4  }
0x9e: {  	[timem:s8], [sflag:s23] =	dma.local [hbm:s6], s21  }
0x9f: {  	_ =	swait.ge [sflag:s23], s21  }
0xa0: {  	s5 =	ssub.s32 $0x0, s21;
	[sflag:s23] =	ssyncset.done $0x0  }
0xa1: {  	[sflag:s23] =	ssyncadd.s32 s5;
	_ =	sdelay $0x1  }
0xa2: {  	s24 =	simm.s32 $0x1B8B  }
0xa3: {  	_ =	swait.ge [sflag:s24], $0x1  }
0xa4: {  	[sflag:s24] =	ssyncset.done $0x0  }
0xa5: {  	s25 =	simm.s32 $0x1B8E;
	[sflag:s24] =	ssyncadd.s32 $0xFFFFFFFF  }
0xa6: {  	s26 =	simm.s32 $execute0_lowered;
	[smem:$0x3FD2] =	sst s25  }
0xa7: {  	s5 =	sshll.u32 s26, $0x1;
	_ =	strace $0x80000046;
	[dreg:$0x1] =	wrdreg $0xFFFFFFFF  }
0xa8: {  	s28 =	simm.s32 $_size_execute0_lowered;
	s4 =	sadd.s32 s4, s5;
	[dreg:$0x0] =	wrdreg $0x0  }
0xa9: {  	s5 =	sshll.u32 s28, $0x1;
	[dreg:$0x2] =	wrdreg s4  }
0xaa: {  	[dreg:$0x3] =	wrdreg s5  }
0xab: {  	[dreg:$0x4] =	wrdreg $0xC0  }
0xac: {  	_ =	task [dreg:s8], $0x5FFFF  }
0xad: {  	[dreg:$0x1] =	wrdreg $0xFFFFFFFF  }
0xae: {  	[dreg:$0x0] =	wrdreg $0x60  }
0xaf: {  	[dreg:$0x2] =	wrdreg s2  }
0xb0: {  	[dreg:$0x3] =	wrdreg s19  }
0xb1: {  	[dreg:$0x4] =	wrdreg $0x180000  }
0xb2: {  	[dreg:$0x5] =	wrdreg $0x9  }
0xb3: {  	_ =	task.clear_ibuf [dreg:s8], $0x6FFFF;
	_ =	strace $0x90000046  }
0xb4: {  	s29 =	simm.s32 $0x9;
	_ =	strace $0x80000048  }
0xb5: {  	_ =	swait.ge [sflag:s29], $0x1  }
0xb6: {  	[sflag:s29] =	ssyncadd.s32 $0xFFFFFFFF  }
0xb7: {  	_ =	strace $0x90000048  }
0xb8: {  	_ =	sfence  }
0xb9: {  	s30 =	sld [smem:$0x0];
	_ =	sdelay $0x2  }
0xba: {  	s31 =	sshll.u32 s1, $0xD;
	s1 =	sshrl.u32 s1, $0x2  }
0xbb: {  	s3 =	sand.u32 $0x4000, s31;
	s1 =	sadd.s32 s1, s30  }
0xbc: {  	s0 =	sor.u32 s3, s0;
	s1 =	sshll.u32 s1, $0x11  }
0xbd: {  	s0 =	sor.u32 s1, s0  }
0xbe: {  	s0 =	sadd.s32 $0x8F2B, s0  }
0xbf: {  	[sflag:s0] =	ssyncadd.remote.s32 $0x1  }
0xc0: {  	_ =	sfence.sel $0xFFFF  }
0xc1: {  	[dreg:$0x0] =	wrdreg $0xFFFFFFFF;
	(pc) =	sbr.abs _section_cstart, $3  }
0xc2: {  	[dreg:$0x1] =	wrdreg $0xFFFFFFFF  }
0xc3: {  	_ =	task.clear_ibuf [dreg:s8], $0x2FFFF;
	_ =	strace $0x9FFFFFFF  }
0xc4: {  	(tm) =	ssettm $0x7FFFFFFF  }
0xc5: {  	_ =	shalt  }
tec
execute0_lowered:
.L_overlay_start_1:
0x0: {  	(tag) =	ssettag $0x1  }
0x1: {  	s15 =	rddreg [dreg:$0x0]  }
0x2: {  	s17 =	rddreg [dreg:$0x1]  }
0x3: {  	s0 =	rddreg [dreg:$0x2];
	s1 =	simm.s32 $0x0;
	s2 =	srdreg.scid  }
0x4: {  	s20 =	stileid.u32;
	[smem:$0x7FF] =	sst s1  }
0x5: {  	s23 =	sand.u32 $0x1, s2;
	s3 =	sshll.u32 s20, $0x10;
	s18 =	sand.u32 $0x1, s20  }
0x6: {  	s20 =	sshll.u32 s20, $0xE;
	s2 =	ssub.s32 $0x2, s23;
	s1 =	sshll.u32 s23, $0xF  }
0x7: {  	p0 =	seq.s32 s18, $0x1;
	s20 =	sand.u32 $0x38000, s20;
	s4 =	sshrl.u32 s2, $0x1  }
0x8: {  	s16 =	sor.u32 s1, s3;
	s21 =	sadd.s32 s20, s0;
	p1 =	seq.s32 @!p0 s18, $0x0  }
0x9: {  	s20 =	simm.s32 $0x1;
	s19 =	ssub.s32 s2, s4;
	s24 =	sor.u32 $0x1000, s16  }
0xa: {  	s6 =	sor.u32 $0x2000, s16;
	s8 =	sor.u32 $0x3000, s16;
	s10 =	sor.u32 $0x4000, s16  }
0xb: {  	s12 =	sor.u32 $0x5000, s16;
	s13 =	sor.u32 $0x6000, s16;
	s14 =	sor.u32 $0x7000, s16  }
0xc: {  	s25 =	sor.u32 $0x800, s16;
	s28 =	sor.u32 $0x1800, s16;
	s22 =	sor.u32 $0x2800, s16  }
0xd: {  	s29 =	sadd.s32 s15, s16;
	s30 =	sadd.s32 s17, s16;
	p1 =	por p0, !p1  }
0xe: {  	s1 =	sadd.s32 s15, s24;
	s2 =	sadd.s32 s15, s6;
	s3 =	sadd.s32 s15, s8  }
0xf: {  	s4 =	sadd.s32 s17, s24;
	s5 =	sadd.s32 s15, s10;
	s6 =	sadd.s32 s17, s6  }
0x10: {  	s7 =	sadd.s32 s15, s12;
	s8 =	sadd.s32 s17, s8;
	s26 =	sadd.s32 s15, s25  }
0x11: {  	s9 =	sadd.s32 s15, s13;
	s0 =	sadd.s32 s17, s25;
	[dreg:$0x5] =	wrdreg s26  }
0x12: {  	s10 =	sadd.s32 s17, s10;
	s31 =	sadd.s32 s15, s28;
	[dreg:$0x6] =	wrdreg s0  }
0x13: {  	s11 =	sadd.s32 s15, s14;
	s23 =	sadd.s32 s15, s22;
	[dreg:$0x7] =	wrdreg s31  }
0x14: {  	s24 =	sor.u32 $0x3800, s16;
	s0 =	sadd.s32 s17, s28;
	[dreg:$0x9] =	wrdreg s23  }
0x15: {  	s12 =	sadd.s32 s17, s12;
	s25 =	sadd.s32 s15, s24;
	[dreg:$0x8] =	wrdreg s0  }
0x16: {  	s26 =	sor.u32 $0x4800, s16;
	s0 =	sadd.s32 s17, s22;
	[dreg:$0xb] =	wrdreg s25  }
0x17: {  	s31 =	sor.u32 $0x5800, s16;
	s28 =	sadd.s32 s15, s26;
	[dreg:$0xa] =	wrdreg s0  }
0x18: {  	s23 =	sor.u32 $0x6800, s16;
	s22 =	sadd.s32 s15, s31;
	[dreg:$0xd] =	wrdreg s28  }
0x19: {  	s13 =	sadd.s32 s17, s13;
	s25 =	sadd.s32 s15, s23;
	[dreg:$0xf] =	wrdreg s22  }
0x1a: {  	s14 =	sadd.s32 s17, s14;
	s0 =	sadd.s32 s17, s24;
	[dreg:$0x11] =	wrdreg s25  }
0x1b: {  	s24 =	sor.u32 $0x7800, s16;
	[dreg:$0xc] =	wrdreg s0;
	s0 =	sadd.s32 s17, s26  }
0x1c: {  	s18 =	smax.u32 s19, $0x1;
	s26 =	sadd.s32 s15, s24;
	[dreg:$0xe] =	wrdreg s0  }
.Ltmp0:
0x1d: {  	s28 =	sadd.s32 s17, s24;
	[dreg:$0x13] =	wrdreg s26;
	(pc) =	sbr.rel .LBB2_1-.Ltmp0, $4  }
0x1e: {  	s22 =	simm.s32 $0x2;
	s0 =	sadd.s32 s17, s31;
	[dreg:$0x14] =	wrdreg s28  }
0x1f: {  	s31 =	sadd.s32 $0x4000, s21;
	[dreg:$0x10] =	wrdreg s0;
	s0 =	sadd.s32 s17, s23  }
0x20: {  	s19 =	sshrl.u32 s31, $0x3;
	s23 =	simm.s32 $0x5;
	[dreg:$0x12] =	wrdreg s0  }
0x21: {  	_ =	strace $0x80000047;
	[dreg:$0x4] =	wrdreg s21;
	s21 =	simm.s32 $0x4  }
.LBB2_3:
0x22: {  	s18 =	sadd.s32 $0xFFFFFFFF, s18  }
0x23: {  	p2 =	sne.s32 s18, $0x0  }
.Ltmp1:
0x24: {  	_ = 	snop;
	(pc) =	sbr.rel @!p2 .LBB2_4-.Ltmp1, $1  }
0x25: {  	_ =	sdelay $0x3  }
.LBB2_1:
0x26: {  	s15 =	simm.s32 @!p0 $0x0  }
0x27: {  	[tilespmem:s15], [sflag:$0x1] =	stream.linear.gather @!p0 [hbm4b:s29+s15], $0x8000, $0x38;
	[tilespmem:$0x1C000] =	vst v63  }
0x28: {  	s24 =	simm.s32 @!p0 $0x8000  }
0x29: {  	[tilespmem:s24], [sflag:$0x2] =	stream.linear.gather @!p0 [hbm4b:s1+s15], $0x8000, $0x38;
	[tilespmem:$0x1C000] =	vst v63  }
0x2a: {  	s25 =	simm.s32 @!p0 $0x10000;
	s26 =	simm.s32 @!p0 $0x1  }
0x2b: {  	[tilespmem:s25], [sflag:$0x3] =	stream.linear.gather @!p0 [hbm4b:s2+s15], $0x8000, $0x38;
	[tilespmem:$0x1C000] =	vst v63  }
0x2c: {  	_ =	swait.ge @!p0 [sflag:s26], $0x8000  }
0x2d: {  	[sflag:s26] =	ssyncset.done @!p0 $0x0  }
0x2e: {  	s28 =	simm.s32 @!p0 $0x4;
	[sflag:s26] =	ssyncadd.s32 @!p0 $0xFFFF8000  }
0x2f: {  	[hbm4b:s30+s15] =	stream.linear.scatter @!p0 [tilespmem:s15], [sflag:$0x4], $0x8000, $0x38;
	[tilespmem:$0x1C000] =	vst v63  }
0x30: {  	_ =	swait.ge @!p0 [sflag:s28], $0x8000  }
0x31: {  	[sflag:s28] =	ssyncset.done @!p0 $0x0  }
0x32: {  	s31 =	simm.s32 @!p0 $0x2;
	[sflag:s28] =	ssyncadd.s32 @!p0 $0xFFFF8000  }
0x33: {  	[tilespmem:s15], [sflag:$0x1] =	stream.linear.gather @!p0 [hbm4b:s3+s15], $0x8000, $0x38;
	[tilespmem:$0x1C000] =	vst v63  }
0x34: {  	_ =	swait.ge @!p0 [sflag:s31], $0x8000  }
0x35: {  	[sflag:s31] =	ssyncset.done @!p0 $0x0  }
0x36: {  	s0 =	simm.s32 @!p0 $0x5;
	[sflag:s31] =	ssyncadd.s32 @!p0 $0xFFFF8000  }
0x37: {  	[hbm4b:s4+s15] =	stream.linear.scatter @!p0 [tilespmem:s24], [sflag:$0x5], $0x8000, $0x38;
	[tilespmem:$0x1C000] =	vst v63  }
0x38: {  	_ =	swait.ge @!p0 [sflag:s0], $0x8000  }
0x39: {  	[sflag:s0] =	ssyncset.done @!p0 $0x0  }
0x3a: {  	s16 =	simm.s32 @!p0 $0x3;
	[sflag:s0] =	ssyncadd.s32 @!p0 $0xFFFF8000  }
0x3b: {  	[tilespmem:s24], [sflag:$0x2] =	stream.linear.gather @!p0 [hbm4b:s5+s15], $0x8000, $0x38;
	[tilespmem:$0x1C000] =	vst v63  }
0x3c: {  	_ =	swait.ge @!p0 [sflag:s16], $0x8000  }
0x3d: {  	[sflag:s16] =	ssyncset.done @!p0 $0x0  }
0x3e: {  	s17 =	simm.s32 @!p0 $0x6;
	[sflag:s16] =	ssyncadd.s32 @!p0 $0xFFFF8000  }
0x3f: {  	[hbm4b:s6+s15] =	stream.linear.scatter @!p0 [tilespmem:s25], [sflag:$0x6], $0x8000, $0x38;
	[tilespmem:$0x1C000] =	vst v63  }
0x40: {  	_ =	swait.ge @!p0 [sflag:s17], $0x8000  }
0x41: {  	[sflag:s17] =	ssyncset.done @!p0 $0x0  }
0x42: {  	[sflag:s17] =	ssyncadd.s32 @!p0 $0xFFFF8000  }
0x43: {  	[tilespmem:s25], [sflag:$0x3] =	stream.linear.gather @!p0 [hbm4b:s7+s15], $0x8000, $0x38;
	[tilespmem:$0x1C000] =	vst v63  }
0x44: {  	_ =	swait.ge @!p0 [sflag:s26], $0x8000  }
0x45: {  	[sflag:s26] =	ssyncset.done @!p0 $0x0  }
0x46: {  	[sflag:s26] =	ssyncadd.s32 @!p0 $0xFFFF8000  }
0x47: {  	[hbm4b:s8+s15] =	stream.linear.scatter @!p0 [tilespmem:s15], [sflag:$0x4], $0x8000, $0x38;
	[tilespmem:$0x1C000] =	vst v63  }
0x48: {  	_ =	swait.ge @!p0 [sflag:s28], $0x8000  }
0x49: {  	[sflag:s28] =	ssyncset.done @!p0 $0x0  }
0x4a: {  	[sflag:s28] =	ssyncadd.s32 @!p0 $0xFFFF8000  }
0x4b: {  	[tilespmem:s15], [sflag:$0x1] =	stream.linear.gather @!p0 [hbm4b:s9+s15], $0x8000, $0x38;
	[tilespmem:$0x1C000] =	vst v63  }
0x4c: {  	_ =	swait.ge @!p0 [sflag:s31], $0x8000  }
0x4d: {  	[sflag:s31] =	ssyncset.done @!p0 $0x0  }
0x4e: {  	[sflag:s31] =	ssyncadd.s32 @!p0 $0xFFFF8000  }
0x4f: {  	[hbm4b:s10+s15] =	stream.linear.scatter @!p0 [tilespmem:s24], [sflag:$0x5], $0x8000, $0x38;
	[tilespmem:$0x1C000] =	vst v63  }
0x50: {  	_ =	swait.ge @!p0 [sflag:s0], $0x8000  }
0x51: {  	[sflag:s0] =	ssyncset.done @!p0 $0x0  }
0x52: {  	[sflag:s0] =	ssyncadd.s32 @!p0 $0xFFFF8000  }
0x53: {  	[tilespmem:s24], [sflag:$0x2] =	stream.linear.gather @!p0 [hbm4b:s11+s15], $0x8000, $0x38;
	[tilespmem:$0x1C000] =	vst v63  }
0x54: {  	_ =	swait.ge @!p0 [sflag:s16], $0x8000  }
0x55: {  	[sflag:s16] =	ssyncset.done @!p0 $0x0  }
0x56: {  	[sflag:s16] =	ssyncadd.s32 @!p0 $0xFFFF8000  }
0x57: {  	[hbm4b:s12+s15] =	stream.linear.scatter @!p0 [tilespmem:s25], [sflag:$0x6], $0x8000, $0x38;
	[tilespmem:$0x1C000] =	vst v63  }
0x58: {  	_ =	swait.ge @!p0 [sflag:s26], $0x8000  }
0x59: {  	[sflag:s26] =	ssyncset.done @!p0 $0x0  }
0x5a: {  	[sflag:s26] =	ssyncadd.s32 @!p0 $0xFFFF8000  }
0x5b: {  	[hbm4b:s13+s15] =	stream.linear.scatter @!p0 [tilespmem:s15], [sflag:$0x4], $0x8000, $0x38;
	[tilespmem:$0x1C000] =	vst v63  }
0x5c: {  	_ =	swait.ge @!p0 [sflag:s31], $0x8000  }
0x5d: {  	[sflag:s31] =	ssyncset.done @!p0 $0x0  }
0x5e: {  	[sflag:s31] =	ssyncadd.s32 @!p0 $0xFFFF8000  }
0x5f: {  	[hbm4b:s14+s15] =	stream.linear.scatter @!p0 [tilespmem:s24], [sflag:$0x5], $0x8000, $0x38;
	[tilespmem:$0x1C000] =	vst v63  }
0x60: {  	_ =	swait.ge @!p0 [sflag:s28], $0x8000  }
0x61: {  	[sflag:s28] =	ssyncset.done @!p0 $0x0  }
0x62: {  	[sflag:s28] =	ssyncadd.s32 @!p0 $0xFFFF8000  }
0x63: {  	_ =	swait.ge @!p0 [sflag:s0], $0x8000  }
.Ltmp2:
0x64: {  	[sflag:s0] =	ssyncset.done @!p0 $0x0;
	(pc) =	sbr.rel @!p1 .LBB2_3-.Ltmp2, $4  }
0x65: {  	[sflag:s0] =	ssyncadd.s32 @!p0 $0xFFFF8000  }
0x66: {  	_ =	swait.ge @!p0 [sflag:s17], $0x8000  }
0x67: {  	[sflag:s17] =	ssyncset.done @!p0 $0x0  }
0x68: {  	[sflag:s17] =	ssyncadd.s32 @!p0 $0xFFFF8000  }
0x69: {  	s0 =	stileid.u32  }
0x6a: {  	s15 =	rddreg [dreg:$0x4];
	s0 =	sshll.u32 s0, $0x6  }
0x6b: {  	s24 =	sshrl.u32 s15, $0x3;
	s26 =	sor.u32 $0x1C01, s0  }
0x6c: {  	[spmem:s24], [sflag:s26] =	dma.local [hbm:s29], $0x800  }
0x6d: {  	s25 =	sor.u32 $0x1C02, s0;
	s16 =	rddreg [dreg:$0x5]  }
0x6e: {  	[spmem:s19], [sflag:s25] =	dma.local [hbm:s16], $0x800  }
0x6f: {  	_ =	swait.ge [sflag:s20], $0x800  }
0x70: {  	[sflag:s20] =	ssyncset.done $0x0  }
0x71: {  	s15 =	sor.u32 $0x1C04, s0;
	[sflag:s20] =	ssyncadd.s32 $0xFFFFF800  }
0x72: {  	[hbm:s30], [sflag:s15] =	dma.local [spmem:s24], $0x800  }
0x73: {  	_ =	swait.ge [sflag:s21], $0x800  }
0x74: {  	[sflag:s21] =	ssyncset.done $0x0  }
0x75: {  	[sflag:s21] =	ssyncadd.s32 $0xFFFFF800  }
0x76: {  	[spmem:s24], [sflag:s26] =	dma.local [hbm:s1], $0x800  }
0x77: {  	_ =	swait.ge [sflag:s22], $0x800  }
0x78: {  	[sflag:s22] =	ssyncset.done $0x0  }
0x79: {  	s28 =	sor.u32 $0x1C05, s0;
	s17 =	rddreg [dreg:$0x6];
	[sflag:s22] =	ssyncadd.s32 $0xFFFFF800  }
0x7a: {  	[hbm:s17], [sflag:s28] =	dma.local [spmem:s19], $0x800  }
0x7b: {  	_ =	swait.ge [sflag:s23], $0x800  }
0x7c: {  	[sflag:s23] =	ssyncset.done $0x0  }
0x7d: {  	s31 =	rddreg [dreg:$0x7];
	[sflag:s23] =	ssyncadd.s32 $0xFFFFF800  }
0x7e: {  	[spmem:s19], [sflag:s25] =	dma.local [hbm:s31], $0x800  }
0x7f: {  	_ =	swait.ge [sflag:s20], $0x800  }
0x80: {  	[sflag:s20] =	ssyncset.done $0x0  }
0x81: {  	[sflag:s20] =	ssyncadd.s32 $0xFFFFF800  }
0x82: {  	[hbm:s4], [sflag:s15] =	dma.local [spmem:s24], $0x800  }
0x83: {  	_ =	swait.ge [sflag:s21], $0x800  }
0x84: {  	[sflag:s21] =	ssyncset.done $0x0  }
0x85: {  	[sflag:s21] =	ssyncadd.s32 $0xFFFFF800  }
0x86: {  	[spmem:s24], [sflag:s26] =	dma.local [hbm:s2], $0x800  }
0x87: {  	_ =	swait.ge [sflag:s22], $0x800  }
0x88: {  	[sflag:s22] =	ssyncset.done $0x0  }
0x89: {  	s16 =	rddreg [dreg:$0x8];
	[sflag:s22] =	ssyncadd.s32 $0xFFFFF800  }
0x8a: {  	[hbm:s16], [sflag:s28] =	dma.local [spmem:s19], $0x800  }
0x8b: {  	_ =	swait.ge [sflag:s23], $0x800  }
0x8c: {  	[sflag:s23] =	ssyncset.done $0x0  }
0x8d: {  	s17 =	rddreg [dreg:$0x9];
	[sflag:s23] =	ssyncadd.s32 $0xFFFFF800  }
0x8e: {  	[spmem:s19], [sflag:s25] =	dma.local [hbm:s17], $0x800  }
0x8f: {  	_ =	swait.ge [sflag:s20], $0x800  }
0x90: {  	[sflag:s20] =	ssyncset.done $0x0  }
0x91: {  	[sflag:s20] =	ssyncadd.s32 $0xFFFFF800  }
0x92: {  	[hbm:s6], [sflag:s15] =	dma.local [spmem:s24], $0x800  }
0x93: {  	_ =	swait.ge [sflag:s21], $0x800  }
0x94: {  	[sflag:s21] =	ssyncset.done $0x0  }
0x95: {  	[sflag:s21] =	ssyncadd.s32 $0xFFFFF800  }
0x96: {  	[spmem:s24], [sflag:s26] =	dma.local [hbm:s3], $0x800  }
0x97: {  	_ =	swait.ge [sflag:s22], $0x800  }
0x98: {  	[sflag:s22] =	ssyncset.done $0x0  }
0x99: {  	s31 =	rddreg [dreg:$0xa];
	[sflag:s22] =	ssyncadd.s32 $0xFFFFF800  }
0x9a: {  	[hbm:s31], [sflag:s28] =	dma.local [spmem:s19], $0x800  }
0x9b: {  	_ =	swait.ge [sflag:s23], $0x800  }
0x9c: {  	[sflag:s23] =	ssyncset.done $0x0  }
0x9d: {  	s16 =	rddreg [dreg:$0xb];
	[sflag:s23] =	ssyncadd.s32 $0xFFFFF800  }
0x9e: {  	[spmem:s19], [sflag:s25] =	dma.local [hbm:s16], $0x800  }
0x9f: {  	_ =	swait.ge [sflag:s20], $0x800  }
0xa0: {  	[sflag:s20] =	ssyncset.done $0x0  }
0xa1: {  	[sflag:s20] =	ssyncadd.s32 $0xFFFFF800  }
0xa2: {  	[hbm:s8], [sflag:s15] =	dma.local [spmem:s24], $0x800  }
0xa3: {  	_ =	swait.ge [sflag:s21], $0x800  }
0xa4: {  	[sflag:s21] =	ssyncset.done $0x0  }
0xa5: {  	[sflag:s21] =	ssyncadd.s32 $0xFFFFF800  }
0xa6: {  	[spmem:s24], [sflag:s26] =	dma.local [hbm:s5], $0x800  }
0xa7: {  	_ =	swait.ge [sflag:s22], $0x800  }
0xa8: {  	[sflag:s22] =	ssyncset.done $0x0  }
0xa9: {  	s17 =	rddreg [dreg:$0xc];
	[sflag:s22] =	ssyncadd.s32 $0xFFFFF800  }
0xaa: {  	[hbm:s17], [sflag:s28] =	dma.local [spmem:s19], $0x800  }
0xab: {  	_ =	swait.ge [sflag:s23], $0x800  }
0xac: {  	[sflag:s23] =	ssyncset.done $0x0  }
0xad: {  	s31 =	rddreg [dreg:$0xd];
	[sflag:s23] =	ssyncadd.s32 $0xFFFFF800  }
0xae: {  	[spmem:s19], [sflag:s25] =	dma.local [hbm:s31], $0x800  }
0xaf: {  	_ =	swait.ge [sflag:s20], $0x800  }
0xb0: {  	[sflag:s20] =	ssyncset.done $0x0  }
0xb1: {  	[sflag:s20] =	ssyncadd.s32 $0xFFFFF800  }
0xb2: {  	[hbm:s10], [sflag:s15] =	dma.local [spmem:s24], $0x800  }
0xb3: {  	_ =	swait.ge [sflag:s21], $0x800  }
0xb4: {  	[sflag:s21] =	ssyncset.done $0x0  }
0xb5: {  	[sflag:s21] =	ssyncadd.s32 $0xFFFFF800  }
0xb6: {  	[spmem:s24], [sflag:s26] =	dma.local [hbm:s7], $0x800  }
0xb7: {  	_ =	swait.ge [sflag:s22], $0x800  }
0xb8: {  	[sflag:s22] =	ssyncset.done $0x0  }
0xb9: {  	s16 =	rddreg [dreg:$0xe];
	[sflag:s22] =	ssyncadd.s32 $0xFFFFF800  }
0xba: {  	[hbm:s16], [sflag:s28] =	dma.local [spmem:s19], $0x800  }
0xbb: {  	_ =	swait.ge [sflag:s23], $0x800  }
0xbc: {  	[sflag:s23] =	ssyncset.done $0x0  }
0xbd: {  	s17 =	rddreg [dreg:$0xf];
	[sflag:s23] =	ssyncadd.s32 $0xFFFFF800  }
0xbe: {  	[spmem:s19], [sflag:s25] =	dma.local [hbm:s17], $0x800  }
0xbf: {  	_ =	swait.ge [sflag:s20], $0x800  }
0xc0: {  	[sflag:s20] =	ssyncset.done $0x0  }
0xc1: {  	[sflag:s20] =	ssyncadd.s32 $0xFFFFF800  }
0xc2: {  	[hbm:s12], [sflag:s15] =	dma.local [spmem:s24], $0x800  }
0xc3: {  	_ =	swait.ge [sflag:s21], $0x800  }
0xc4: {  	[sflag:s21] =	ssyncset.done $0x0  }
0xc5: {  	[sflag:s21] =	ssyncadd.s32 $0xFFFFF800  }
0xc6: {  	[spmem:s24], [sflag:s26] =	dma.local [hbm:s9], $0x800  }
0xc7: {  	_ =	swait.ge [sflag:s22], $0x800  }
0xc8: {  	[sflag:s22] =	ssyncset.done $0x0  }
0xc9: {  	s31 =	rddreg [dreg:$0x10];
	[sflag:s22] =	ssyncadd.s32 $0xFFFFF800  }
0xca: {  	[hbm:s31], [sflag:s28] =	dma.local [spmem:s19], $0x800  }
0xcb: {  	_ =	swait.ge [sflag:s23], $0x800  }
0xcc: {  	[sflag:s23] =	ssyncset.done $0x0  }
0xcd: {  	s16 =	rddreg [dreg:$0x11];
	[sflag:s23] =	ssyncadd.s32 $0xFFFFF800  }
0xce: {  	[spmem:s19], [sflag:s25] =	dma.local [hbm:s16], $0x800  }
0xcf: {  	_ =	swait.ge [sflag:s20], $0x800  }
0xd0: {  	[sflag:s20] =	ssyncset.done $0x0  }
0xd1: {  	[sflag:s20] =	ssyncadd.s32 $0xFFFFF800  }
0xd2: {  	[hbm:s13], [sflag:s15] =	dma.local [spmem:s24], $0x800  }
0xd3: {  	_ =	swait.ge [sflag:s21], $0x800  }
0xd4: {  	[sflag:s21] =	ssyncset.done $0x0  }
0xd5: {  	[sflag:s21] =	ssyncadd.s32 $0xFFFFF800  }
0xd6: {  	[spmem:s24], [sflag:s26] =	dma.local [hbm:s11], $0x800  }
0xd7: {  	_ =	swait.ge [sflag:s22], $0x800  }
0xd8: {  	[sflag:s22] =	ssyncset.done $0x0  }
0xd9: {  	s17 =	rddreg [dreg:$0x12];
	[sflag:s22] =	ssyncadd.s32 $0xFFFFF800  }
0xda: {  	[hbm:s17], [sflag:s28] =	dma.local [spmem:s19], $0x800  }
0xdb: {  	_ =	swait.ge [sflag:s23], $0x800  }
0xdc: {  	[sflag:s23] =	ssyncset.done $0x0  }
0xdd: {  	s26 =	rddreg [dreg:$0x13];
	[sflag:s23] =	ssyncadd.s32 $0xFFFFF800  }
0xde: {  	[spmem:s19], [sflag:s25] =	dma.local [hbm:s26], $0x800  }
0xdf: {  	_ =	swait.ge [sflag:s20], $0x800  }
0xe0: {  	[sflag:s20] =	ssyncset.done $0x0  }
0xe1: {  	[sflag:s20] =	ssyncadd.s32 $0xFFFFF800  }
0xe2: {  	[hbm:s14], [sflag:s15] =	dma.local [spmem:s24], $0x800  }
0xe3: {  	_ =	swait.ge [sflag:s22], $0x800  }
0xe4: {  	[sflag:s22] =	ssyncset.done $0x0  }
0xe5: {  	s31 =	rddreg [dreg:$0x14];
	[sflag:s22] =	ssyncadd.s32 $0xFFFFF800  }
0xe6: {  	[hbm:s31], [sflag:s28] =	dma.local [spmem:s19], $0x800  }
0xe7: {  	_ =	swait.ge [sflag:s21], $0x800  }
.Ltmp3:
0xe8: {  	[sflag:s21] =	ssyncset.done $0x0;
	(pc) =	sbr.rel .LBB2_3-.Ltmp3, $4  }
0xe9: {  	[sflag:s21] =	ssyncadd.s32 $0xFFFFF800  }
0xea: {  	_ =	swait.ge [sflag:s23], $0x800  }
0xeb: {  	[sflag:s23] =	ssyncset.done $0x0  }
0xec: {  	[sflag:s23] =	ssyncadd.s32 $0xFFFFF800  }
.LBB2_4:
0xed: {  	_ =	sfence.sel $0x180000  }
0xee: {  	[bflag:$0x0] =	sbarrier.arrive $0xFFFF  }
0xef: {  	_ =	strace $0x90000047  }
0xf0: {  	s0 =	stileid.u32;
	[bflag:$0x2] =	sbarrier.arrive $0xFFFF  }
0xf1: {  	p0 =	sne.s32 s0, $0x0;
	s0 =	rddreg [dreg:$0x3]  }
0xf2: {  	s0 =	sadd.s32 @!p0 $0x100000, s0  }
0xf3: {  	[sflag:s0] =	ssyncadd.tile.s32 @!p0 $0x1;
	_ =	shalt  }
.Lfunc_end2:
_tile_overlayer_lowered:
.L_overlay_start_2:
0xf4: {  	(tag) =	ssettag $0x2  }
0xf5: {  	s0 =	rddreg [dreg:$0x0];
	s2 =	stileid.u32  }
0xf6: {  	s1 =	rddreg [dreg:$0x1];
	p0 =	sne.s32 s2, $0x0  }
0xf7: {  	s3 =	rddreg [dreg:$0x2];
	[bflag:$0x3] =	sbarrier.arrive $0xFFFF;
	s2 =	simm.s32 @!p0 $0x1C07  }
0xf8: {  	[timem:s3], [sflag:s2] =	dma.local @!p0 [hbm:s0], s1  }
0xf9: {  	s0 =	simm.s32 @!p0 $0x7  }
0xfa: {  	_ =	swait.ge @!p0 [sflag:s0], s1  }
0xfb: {  	s1 =	ssub.s32 @!p0 $0x0, s1;
	[sflag:s0] =	ssyncset.done @!p0 $0x0  }
0xfc: {  	[sflag:s0] =	ssyncadd.s32 @!p0 s1  }
0xfd: {  	[bflag:$0x3] =	sbarrier.arrive $0xFFFF  }
0xfe: {  	_ =	shalt  }

</sc_bundles>
